<compile_context>
chip_gen: v7x
topology: tpu7x:2x2x1
jax: 0.10.2.dev20260603
libtpu: 0.0.44.dev20260713+nightly
codegen_flags: <defaults>
</compile_context>

<pallas_src>
import functools

import jax
import jax.numpy as jnp
from jax import lax
from jax.experimental import pallas as pl
from jax.experimental.pallas import tpu as pltpu
from jax.experimental.pallas import tpu_sc as plsc

_N = 10000
_E = 320000
_F = 64
_HW = 128
_CW = 80
_WL = 80
_C = 80
_NC = 2
_NS = 16
_EPT = _E // (_NC * _NS)
_CHUNKS = _EPT // _C
_WR = 624
_WREM = _N - _WR * _NS
_ZR = 104
_RB = 1000
_GRID = _N // _RB
_HPAD = 8



def _proj_body(x_ref, w_ref, hxm_ref, scm_ref, dcm_ref, u_ref,
               hxt_ref, asct_ref, adct_ref):
    h = jnp.dot(x_ref[...], w_ref[...], preferred_element_type=jnp.float32)
    hxt_ref[...] = (jnp.dot(h, hxm_ref[...],
                            preferred_element_type=jnp.float32) + u_ref[...])
    asct_ref[...] = jnp.dot(h, scm_ref[...],
                            preferred_element_type=jnp.float32)
    adct_ref[...] = jnp.dot(h, dcm_ref[...],
                            preferred_element_type=jnp.float32)


def _proj(x, w, hxm, scm, dcm, u):
    din = x.shape[1]
    tab = jax.ShapeDtypeStruct((_N, _HW), jnp.float32)
    return pl.pallas_call(
        _proj_body,
        grid=(_GRID,),
        in_specs=[
            pl.BlockSpec((_RB, din), lambda i: (i, 0)),
            pl.BlockSpec((din, _F), lambda i: (0, 0)),
            pl.BlockSpec((_F, _HW), lambda i: (0, 0)),
            pl.BlockSpec((_F, _HW), lambda i: (0, 0)),
            pl.BlockSpec((_F, _HW), lambda i: (0, 0)),
            pl.BlockSpec((1, _HW), lambda i: (0, 0)),
        ],
        out_specs=[
            pl.BlockSpec((_RB, _HW), lambda i: (i, 0)),
            pl.BlockSpec((_RB, _HW), lambda i: (i, 0)),
            pl.BlockSpec((_RB, _HW), lambda i: (i, 0)),
        ],
        out_shape=[tab, tab, tab],
    )(x, w, hxm, scm, dcm, u)


def _mid_body(p0_ref, p1_ref, pm_ref, b0_ref, w1_ref, hxm_ref, scm_ref,
              dcm_ref, u_ref, hxt_ref, asct_ref, adct_ref):
    s = p0_ref[...] + p1_ref[...]
    den = jnp.dot(s, pm_ref[...], preferred_element_type=jnp.float32)
    h0 = s[:, :_F] / (den + 1e-16) + b0_ref[...]
    x1 = jnp.where(h0 > 0.0, h0, jnp.exp(h0) - 1.0)
    h1 = jnp.dot(x1, w1_ref[...], preferred_element_type=jnp.float32)
    hxt_ref[...] = (jnp.dot(h1, hxm_ref[...],
                            preferred_element_type=jnp.float32) + u_ref[...])
    asct_ref[...] = jnp.dot(h1, scm_ref[...],
                            preferred_element_type=jnp.float32)
    adct_ref[...] = jnp.dot(h1, dcm_ref[...],
                            preferred_element_type=jnp.float32)


def _mid(p0, p1, pm, b0, w1, hxm, scm, dcm, u):
    tab = jax.ShapeDtypeStruct((_N, _HW), jnp.float32)
    return pl.pallas_call(
        _mid_body,
        grid=(_GRID,),
        in_specs=[
            pl.BlockSpec((_RB, _CW), lambda i: (i, 0)),
            pl.BlockSpec((_RB, _CW), lambda i: (i, 0)),
            pl.BlockSpec((_CW, _F), lambda i: (0, 0)),
            pl.BlockSpec((1, _F), lambda i: (0, 0)),
            pl.BlockSpec((_F, _F), lambda i: (0, 0)),
            pl.BlockSpec((_F, _HW), lambda i: (0, 0)),
            pl.BlockSpec((_F, _HW), lambda i: (0, 0)),
            pl.BlockSpec((_F, _HW), lambda i: (0, 0)),
            pl.BlockSpec((1, _HW), lambda i: (0, 0)),
        ],
        out_specs=[
            pl.BlockSpec((_RB, _HW), lambda i: (i, 0)),
            pl.BlockSpec((_RB, _HW), lambda i: (i, 0)),
            pl.BlockSpec((_RB, _HW), lambda i: (i, 0)),
        ],
        out_shape=[tab, tab, tab],
    )(p0, p1, pm, b0, w1, hxm, scm, dcm, u)


def _fin_body(q0_ref, q1_ref, b1_ref, out_ref):
    s = q0_ref[...] + q1_ref[...]
    out_ref[...] = s[:, :_F] / (s[:, _F:_F + 1] + 1e-16) + b1_ref[...]


def _fin(q0, q1, b1):
    return pl.pallas_call(
        _fin_body,
        grid=(_GRID,),
        in_specs=[
            pl.BlockSpec((_RB, _CW), lambda i: (i, 0)),
            pl.BlockSpec((_RB, _CW), lambda i: (i, 0)),
            pl.BlockSpec((1, _F), lambda i: (0, 0)),
        ],
        out_specs=pl.BlockSpec((_RB, _F), lambda i: (i, 0)),
        out_shape=jax.ShapeDtypeStruct((_N, _F), jnp.float32),
    )(q0, q1, b1)



@functools.cache
def _sc_edge_w_fn():
    mesh = plsc.VectorSubcoreMesh(core_axis_name="c", subcore_axis_name="s")

    @functools.partial(
        pl.kernel,
        out_type=jax.ShapeDtypeStruct((_E, _WL), jnp.float32),
        mesh=mesh,
        scratch_types=[
            pltpu.VMEM((_C,), jnp.int32),
            pltpu.VMEM((_C,), jnp.int32),
            pltpu.VMEM((_C, _HW), jnp.float32),
            pltpu.VMEM((_C, _HW), jnp.float32),
            pltpu.VMEM((_C, _HW), jnp.float32),
            pltpu.VMEM((_C, _WL), jnp.float32),
            pltpu.SemaphoreType.DMA,
        ],
    )
    def sc_edge_w(asct, adct, hxt, src, dst, mout,
                  sidx, didx, rs, rd, rt, mbuf, sem):
        cid = lax.axis_index("c")
        sid = lax.axis_index("s")
        ebase = (cid * _NS + sid) * _EPT

        @pl.loop(0, _CHUNKS)
        def chunk(k):
            off = ebase + k * _C
            pltpu.sync_copy(src.at[pl.ds(off, _C)], sidx)
            cps = pltpu.async_copy(asct.at[sidx], rs, sem)
            cpt = pltpu.async_copy(hxt.at[sidx], rt, sem)
            pltpu.sync_copy(dst.at[pl.ds(off, _C)], didx)
            cpd = pltpu.async_copy(adct.at[didx], rd, sem)
            cps.wait()
            cpt.wait()
            cpd.wait()

            def erow(r, _):
                for c in range(_WL // 16):
                    sl = pl.ds(c * 16, 16)
                    a = rs[r, sl] + rd[r, sl]
                    a = jnp.where(a > 0.0, a, 0.2 * a)
                    mbuf[r, sl] = jnp.exp(a) * rt[r, sl]
                return 0
            lax.fori_loop(0, _C, erow, 0)

            pltpu.sync_copy(mbuf, mout.at[pl.ds(off, _C)])

    return sc_edge_w



@functools.cache
def _sc_edge_acc_fn():
    mesh = plsc.VectorSubcoreMesh(core_axis_name="c", subcore_axis_name="s")

    @functools.partial(
        pl.kernel,
        out_type=jax.ShapeDtypeStruct((_NC, _N, _CW), jnp.float32),
        mesh=mesh,
        scratch_types=[
            pltpu.VMEM((_C,), jnp.int32),
            pltpu.VMEM((_C, _WL), jnp.float32),
            pltpu.VMEM((_ZR, _CW), jnp.float32),
            pltpu.VMEM_SHARED((_N, _CW), jnp.float32),
        ],
    )
    def sc_edge_acc(msrc, dst, out, didx, msg, zb, acc):
        cid = lax.axis_index("c")
        sid = lax.axis_index("s")

        def zrow(i, _):
            for c in range(_CW // 16):
                zb[i, pl.ds(c * 16, 16)] = jnp.zeros((16,), jnp.float32)
            return 0
        lax.fori_loop(0, _ZR, zrow, 0)

        def zcopy(k, _):
            pltpu.sync_copy(zb, acc.at[pl.ds(sid * _WR + k * _ZR, _ZR)])
            return 0
        lax.fori_loop(0, _WR // _ZR, zcopy, 0)

        @pl.when(sid == _NS - 1)
        def _():
            pltpu.sync_copy(zb.at[pl.ds(0, _WREM)],
                            acc.at[pl.ds(_NS * _WR, _WREM)])

        plsc.subcore_barrier()

        ebase = (cid * _NS + sid) * _EPT

        @pl.loop(0, _CHUNKS)
        def chunk(k):
            off = ebase + k * _C
            pltpu.sync_copy(dst.at[pl.ds(off, _C)], didx)
            pltpu.sync_copy(msrc.at[pl.ds(off, _C)], msg)
            pltpu.sync_copy(msg, acc.at[didx], add=True)

        plsc.subcore_barrier()
        row0 = sid * _WR
        pltpu.sync_copy(acc.at[pl.ds(row0, _WR)],
                        out.at[cid, pl.ds(row0, _WR)])

        @pl.when(sid == _NS - 1)
        def _():
            pltpu.sync_copy(acc.at[pl.ds(_NS * _WR, _WREM)],
                            out.at[cid, pl.ds(_NS * _WR, _WREM)])

    return sc_edge_acc



def _selector_mats(att_src, att_dst, heads):
    out_ch = _F // heads
    att_s = att_src.reshape(heads, out_ch).astype(jnp.float32)
    att_d = att_dst.reshape(heads, out_ch).astype(jnp.float32)
    eyeh = jnp.eye(heads, dtype=jnp.float32)
    a_s = (att_s[:, :, None] * eyeh[:, None, :]).reshape(_F, heads)
    a_d = (att_d[:, :, None] * eyeh[:, None, :]).reshape(_F, heads)
    cols = jnp.arange(_HW)
    rows = jnp.arange(heads)[:, None]
    m = (((cols[None, :] < _F) & ((cols[None, :] // out_ch) == rows))
         | (cols[None, :] == _F + rows)).astype(jnp.float32)
    scm = a_s @ m
    dcm = a_d @ m
    hxm = jnp.concatenate(
        [jnp.eye(_F, dtype=jnp.float32),
         jnp.zeros((_F, _HW - _F), jnp.float32)], axis=1)
    u = (((cols >= _F) & (cols < _F + heads)).astype(jnp.float32))[None, :]
    return hxm, scm, dcm, u


def kernel(x, edge_index, W0, att_src0, att_dst0, b0, W1, att_src1,
           att_dst1, b1):
    src = edge_index[0]
    dst = edge_index[1]

    hxm0, scm0, dcm0, u0 = _selector_mats(att_src0, att_dst0, 8)
    hxt0, asct0, adct0 = _proj(x, W0, hxm0, scm0, dcm0, u0)

    m0 = _sc_edge_w_fn()(asct0, adct0, hxt0, src, dst)
    part0 = _sc_edge_acc_fn()(m0, dst)

    pm = ((jnp.arange(_CW)[:, None] - _F)
          == (jnp.arange(_F)[None, :] // _HPAD)).astype(jnp.float32)
    hxm1, scm1, dcm1, u1 = _selector_mats(att_src1, att_dst1, 1)
    hxt1, asct1, adct1 = _mid(part0[0], part0[1], pm, b0[None, :], W1,
                              hxm1, scm1, dcm1, u1)

    m1 = _sc_edge_w_fn()(asct1, adct1, hxt1, src, dst)
    part1 = _sc_edge_acc_fn()(m1, dst)

    return _fin(part1[0], part1[1], b1[None, :])

# --- scband reference (transcript-rebuilt; emitter-appended) ---
"""Pipeline reference for scband-gat-21268678050286 (READ-ONLY COPY).

The authoritative reference and input builder live on the scoring server;
editing this copy changes nothing except your own understanding.
"""

import jax, jax.numpy as jnp
import numpy as np

N = 10000
E = 320000
D_FEAT = 128
HEADS = 8
HEAD_DIM = 8
N_CLASSES = 64
NEG_SLOPE = 0.2


def _gat_layer(x, edge_index, W, att_src, att_dst, bias, heads, out_ch, num_nodes, neg_slope):
    # linear projection -> [N, heads, out_ch]
    h = (x @ W).reshape(-1, heads, out_ch)
    # per-node attention logits
    a_src = (h * att_src).sum(-1)  # [N, heads]
    a_dst = (h * att_dst).sum(-1)  # [N, heads]
    src = edge_index[0]
    dst = edge_index[1]
    # edge attention logits, leaky relu
    alpha = a_src[src] + a_dst[dst]  # [E, heads]
    alpha = jnp.where(alpha > 0, alpha, neg_slope * alpha)
    # segment softmax over destination nodes
    amax = jax.ops.segment_max(alpha, dst, num_segments=num_nodes)
    amax = jnp.where(jnp.isfinite(amax), amax, 0.0)
    amax = jax.lax.stop_gradient(amax)
    ealpha = jnp.exp(alpha - amax[dst])
    denom = jax.ops.segment_sum(ealpha, dst, num_segments=num_nodes)
    attn = ealpha / (denom[dst] + 1e-16)
    # weighted message aggregation (scatter-add)
    msg = h[src] * attn[:, :, None]  # [E, heads, out_ch]
    out = jax.ops.segment_sum(msg, dst, num_segments=num_nodes)
    out = out.reshape(num_nodes, heads * out_ch) + bias
    return out


def setup_inputs(seed: int = 0) -> dict:
    key = jax.random.key(seed)
    ks = jax.random.split(key, 10)
    x = jax.random.normal(ks[0], (N, D_FEAT), dtype=jnp.float32)
    edge_index = jax.random.randint(ks[1], (2, E), 0, N, dtype=jnp.int32)
    # layer 0: in=128, heads=8, out=8 (concat -> 64)
    s0 = float(np.sqrt(2.0 / (D_FEAT + HEADS * HEAD_DIM)))
    W0 = jax.random.normal(ks[2], (D_FEAT, HEADS * HEAD_DIM), dtype=jnp.float32) * s0
    att_src0 = jax.random.normal(ks[3], (1, HEADS, HEAD_DIM), dtype=jnp.float32) * 0.1
    att_dst0 = jax.random.normal(ks[4], (1, HEADS, HEAD_DIM), dtype=jnp.float32) * 0.1
    b0 = jnp.zeros((HEADS * HEAD_DIM,), dtype=jnp.float32)
    # layer 1 (output): in=64, heads=1, out=n_classes
    s1 = float(np.sqrt(2.0 / (HEADS * HEAD_DIM + N_CLASSES)))
    W1 = jax.random.normal(ks[5], (HEADS * HEAD_DIM, N_CLASSES), dtype=jnp.float32) * s1
    att_src1 = jax.random.normal(ks[6], (1, 1, N_CLASSES), dtype=jnp.float32) * 0.1
    att_dst1 = jax.random.normal(ks[7], (1, 1, N_CLASSES), dtype=jnp.float32) * 0.1
    b1 = jnp.zeros((N_CLASSES,), dtype=jnp.float32)
    return {"x": x, "edge_index": edge_index, "W0": W0, "att_src0": att_src0, "att_dst0": att_dst0, "b0": b0, "W1": W1, "att_src1": att_src1, "att_dst1": att_dst1, "b1": b1}


def reference(x, edge_index, W0, att_src0, att_dst0, b0, W1, att_src1, att_dst1, b1):
    # layer 0 (dropout p=0.0 / eval mode -> identity)
    h = _gat_layer(x, edge_index, W0, att_src0, att_dst0, b0, HEADS, HEAD_DIM, N, NEG_SLOPE)
    h = jax.nn.elu(h)
    # layer 1 (last layer: no elu)
    out = _gat_layer(h, edge_index, W1, att_src1, att_dst1, b1, 1, N_CLASSES, N, NEG_SLOPE)
    return out

if __name__ == "__main__":
    import jax
    _d = setup_inputs()
    print(jax.jit(kernel)(*tuple(_d.values())))

</pallas_src>

<mosaic_0001>
#map = affine_map<(d0, d1) -> (0, 0)>
#map1 = affine_map<(d0, d1) -> (0)>
module attributes {stable_mosaic.version = 14 : i64} {
  func.func @sc_edge_w(%arg0: i32, %arg1: i32, %arg2: memref<10000x128xf32, #tpu.memory_space<hbm>>, %arg3: memref<10000x128xf32, #tpu.memory_space<hbm>>, %arg4: memref<10000x128xf32, #tpu.memory_space<hbm>>, %arg5: memref<320000xi32, #tpu.memory_space<hbm>>, %arg6: memref<320000xi32, #tpu.memory_space<hbm>>, %arg7: memref<320000x80xf32, #tpu.memory_space<hbm>>, %arg8: memref<80xi32, #tpu.memory_space<vmem>>, %arg9: memref<80xi32, #tpu.memory_space<vmem>>, %arg10: memref<80x128xf32, #tpu.memory_space<vmem>>, %arg11: memref<80x128xf32, #tpu.memory_space<vmem>>, %arg12: memref<80x128xf32, #tpu.memory_space<vmem>>, %arg13: memref<80x80xf32, #tpu.memory_space<vmem>>, %arg14: memref<!tpu.dma_semaphore, #tpu.memory_space<semaphore_mem>>) attributes {dimension_semantics = [#tpu.dimension_semantics<core_parallel>, #tpu.dimension_semantics<subcore_parallel>], iteration_bounds = array<i64: 2, 16>, scalar_prefetch = 0 : i64, scratch_operands = 7 : i64, tpu.core_type = #tpu.core_type<sc_vector_subcore>, window_params = [{transform_indices = #map}, {transform_indices = #map}, {transform_indices = #map}, {transform_indices = #map1}, {transform_indices = #map1}, {transform_indices = #map}]} {
    %mul3A = arith.constant 16 : i32
    %mul3A_0 = arith.muli %arg0, %mul3A : i32
    %add3A = arith.addi %mul3A_0, %arg1 : i32
    %mul3A_1 = arith.constant 10000 : i32
    %mul3A_2 = arith.muli %add3A, %mul3A_1 : i32
    %scan3A = arith.constant 0 : i32
    %scan3A_3 = arith.constant 125 : i32
    %scan3A_4 = arith.addi %scan3A, %scan3A_3 : i32
    %scan3A_5 = arith.constant 1 : i32
    scf.for %scan3A_7 = %scan3A to %scan3A_4 step %scan3A_5  : i32 {
      %mul3A_8 = arith.constant 1 : i32
      %mul3A_9 = arith.muli %scan3A_7, %mul3A_8 : i32
      %add3A_10 = arith.constant 0 : i32
      %add3A_11 = arith.addi %add3A_10, %mul3A_9 : i32
      %mul3A_12 = arith.constant 80 : i32
      %mul3A_13 = arith.muli %add3A_11, %mul3A_12 : i32
      %add3A_14 = arith.addi %mul3A_2, %mul3A_13 : i32
      "tpu.region"() ({
        %run_scoped3A = tpu.sem_alloc : memref<!tpu.dma_semaphore, #tpu.memory_space<semaphore_mem>>
        %dma_start3A_38 = tpu.memref_slice %arg5[%add3A_14] : memref<320000xi32, #tpu.memory_space<hbm>> -> memref<80xi32, #tpu.memory_space<hbm>>
        %dma_start3A_39 = tpu.memref_slice %arg5[%add3A_14] : memref<320000xi32, #tpu.memory_space<hbm>> -> memref<80xi32, #tpu.memory_space<hbm>>
        tpu.enqueue_dma source(%dma_start3A_39 : memref<80xi32, #tpu.memory_space<hbm>>) target(%arg8 : memref<80xi32, #tpu.memory_space<vmem>>) target_semaphore(%run_scoped3A : memref<!tpu.dma_semaphore, #tpu.memory_space<semaphore_mem>>)
        %dma_wait3A_40 = tpu.memref_slice %arg5[%add3A_14] : memref<320000xi32, #tpu.memory_space<hbm>> -> memref<80xi32, #tpu.memory_space<hbm>>
        %dma_wait3A_41 = tpu.memref_slice %arg5[%add3A_14] : memref<320000xi32, #tpu.memory_space<hbm>> -> memref<80xi32, #tpu.memory_space<hbm>>
        tpu.wait_dma2 semaphore(%run_scoped3A : memref<!tpu.dma_semaphore, #tpu.memory_space<semaphore_mem>>) src(%dma_wait3A_41 : memref<80xi32, #tpu.memory_space<hbm>>) dst(%arg8 : memref<80xi32, #tpu.memory_space<vmem>>)
        tpu.yield
      }) : () -> ()
      %dma_start3A = arith.constant 0 : i32
      %dma_start3A_15 = arith.constant 0 : i32
      %dma_start3A_16 = tpu.memref_slice %arg2[%dma_start3A, %dma_start3A_15] : memref<10000x128xf32, #tpu.memory_space<hbm>> -> memref<10000x128xf32, #tpu.memory_space<hbm>>
      tpu.enqueue_indirect_dma source(%dma_start3A_16 : memref<10000x128xf32, #tpu.memory_space<hbm>>) target(%arg10 : memref<80x128xf32, #tpu.memory_space<vmem>>) offsets(%arg8 : memref<80xi32, #tpu.memory_space<vmem>>) semaphore(%arg14 : memref<!tpu.dma_semaphore, #tpu.memory_space<semaphore_mem>>)
      %dma_start3A_17 = arith.constant 0 : i32
      %dma_start3A_18 = arith.constant 0 : i32
      %dma_start3A_19 = tpu.memref_slice %arg4[%dma_start3A_17, %dma_start3A_18] : memref<10000x128xf32, #tpu.memory_space<hbm>> -> memref<10000x128xf32, #tpu.memory_space<hbm>>
      tpu.enqueue_indirect_dma source(%dma_start3A_19 : memref<10000x128xf32, #tpu.memory_space<hbm>>) target(%arg12 : memref<80x128xf32, #tpu.memory_space<vmem>>) offsets(%arg8 : memref<80xi32, #tpu.memory_space<vmem>>) semaphore(%arg14 : memref<!tpu.dma_semaphore, #tpu.memory_space<semaphore_mem>>)
      "tpu.region"() ({
        %run_scoped3A = tpu.sem_alloc : memref<!tpu.dma_semaphore, #tpu.memory_space<semaphore_mem>>
        %dma_start3A_38 = tpu.memref_slice %arg6[%add3A_14] : memref<320000xi32, #tpu.memory_space<hbm>> -> memref<80xi32, #tpu.memory_space<hbm>>
        %dma_start3A_39 = tpu.memref_slice %arg6[%add3A_14] : memref<320000xi32, #tpu.memory_space<hbm>> -> memref<80xi32, #tpu.memory_space<hbm>>
        tpu.enqueue_dma source(%dma_start3A_39 : memref<80xi32, #tpu.memory_space<hbm>>) target(%arg9 : memref<80xi32, #tpu.memory_space<vmem>>) target_semaphore(%run_scoped3A : memref<!tpu.dma_semaphore, #tpu.memory_space<semaphore_mem>>)
        %dma_wait3A_40 = tpu.memref_slice %arg6[%add3A_14] : memref<320000xi32, #tpu.memory_space<hbm>> -> memref<80xi32, #tpu.memory_space<hbm>>
        %dma_wait3A_41 = tpu.memref_slice %arg6[%add3A_14] : memref<320000xi32, #tpu.memory_space<hbm>> -> memref<80xi32, #tpu.memory_space<hbm>>
        tpu.wait_dma2 semaphore(%run_scoped3A : memref<!tpu.dma_semaphore, #tpu.memory_space<semaphore_mem>>) src(%dma_wait3A_41 : memref<80xi32, #tpu.memory_space<hbm>>) dst(%arg9 : memref<80xi32, #tpu.memory_space<vmem>>)
        tpu.yield
      }) : () -> ()
      %dma_start3A_20 = arith.constant 0 : i32
      %dma_start3A_21 = arith.constant 0 : i32
      %dma_start3A_22 = tpu.memref_slice %arg3[%dma_start3A_20, %dma_start3A_21] : memref<10000x128xf32, #tpu.memory_space<hbm>> -> memref<10000x128xf32, #tpu.memory_space<hbm>>
      tpu.enqueue_indirect_dma source(%dma_start3A_22 : memref<10000x128xf32, #tpu.memory_space<hbm>>) target(%arg11 : memref<80x128xf32, #tpu.memory_space<vmem>>) offsets(%arg9 : memref<80xi32, #tpu.memory_space<vmem>>) semaphore(%arg14 : memref<!tpu.dma_semaphore, #tpu.memory_space<semaphore_mem>>)
      %dma_wait3A = arith.constant 0 : i32
      %dma_wait3A_23 = arith.constant 0 : i32
      %dma_wait3A_24 = tpu.memref_slice %arg2[%dma_wait3A, %dma_wait3A_23] : memref<10000x128xf32, #tpu.memory_space<hbm>> -> memref<10000x128xf32, #tpu.memory_space<hbm>>
      tpu.wait_indirect_dma semaphore(%arg14 : memref<!tpu.dma_semaphore, #tpu.memory_space<semaphore_mem>>) src(%dma_wait3A_24 : memref<10000x128xf32, #tpu.memory_space<hbm>>) dst(%arg10 : memref<80x128xf32, #tpu.memory_space<vmem>>)
      %dma_wait3A_25 = arith.constant 0 : i32
      %dma_wait3A_26 = arith.constant 0 : i32
      %dma_wait3A_27 = tpu.memref_slice %arg4[%dma_wait3A_25, %dma_wait3A_26] : memref<10000x128xf32, #tpu.memory_space<hbm>> -> memref<10000x128xf32, #tpu.memory_space<hbm>>
      tpu.wait_indirect_dma semaphore(%arg14 : memref<!tpu.dma_semaphore, #tpu.memory_space<semaphore_mem>>) src(%dma_wait3A_27 : memref<10000x128xf32, #tpu.memory_space<hbm>>) dst(%arg12 : memref<80x128xf32, #tpu.memory_space<vmem>>)
      %dma_wait3A_28 = arith.constant 0 : i32
      %dma_wait3A_29 = arith.constant 0 : i32
      %dma_wait3A_30 = tpu.memref_slice %arg3[%dma_wait3A_28, %dma_wait3A_29] : memref<10000x128xf32, #tpu.memory_space<hbm>> -> memref<10000x128xf32, #tpu.memory_space<hbm>>
      tpu.wait_indirect_dma semaphore(%arg14 : memref<!tpu.dma_semaphore, #tpu.memory_space<semaphore_mem>>) src(%dma_wait3A_30 : memref<10000x128xf32, #tpu.memory_space<hbm>>) dst(%arg11 : memref<80x128xf32, #tpu.memory_space<vmem>>)
      %scan3A_31 = arith.constant 0 : i32
      %scan3A_32 = arith.constant 0 : i32
      %scan3A_33 = arith.constant 80 : i32
      %scan3A_34 = arith.addi %scan3A_32, %scan3A_33 : i32
      %scan3A_35 = arith.constant 1 : i32
      %scan3A_36 = scf.for %scan3A_38 = %scan3A_32 to %scan3A_34 step %scan3A_35 iter_args(%scan3A_39 = %scan3A_31) -> (i32)  : i32 {
        %get3A = arith.index_cast %scan3A_38 : i32 to index
        %get3A_40 = arith.constant 0 : index
        %get3A_41 = tpu.vector_load %arg10[%get3A, %get3A_40] {strides = array<i32>} : memref<80x128xf32, #tpu.memory_space<vmem>>, vector<1x16xf32>,
        %get3A_42 = vector.shape_cast %get3A_41 : vector<1x16xf32> to vector<16xf32>
        %get3A_43 = arith.index_cast %scan3A_38 : i32 to index
        %get3A_44 = arith.constant 0 : index
        %get3A_45 = tpu.vector_load %arg11[%get3A_43, %get3A_44] {strides = array<i32>} : memref<80x128xf32, #tpu.memory_space<vmem>>, vector<1x16xf32>,
        %get3A_46 = vector.shape_cast %get3A_45 : vector<1x16xf32> to vector<16xf32>
        %add3A_47 = arith.addf %get3A_42, %get3A_46 : vector<16xf32>
        %gt3A = arith.constant 0.000000e+00 : f32
        %gt3A_48 = vector.broadcast %gt3A : f32 to vector<16xf32>
        %gt3A_49 = arith.cmpf ogt, %add3A_47, %gt3A_48 : vector<16xf32>
        %mul3A_50 = arith.constant 2.000000e-01 : f32
        %mul3A_51 = vector.broadcast %mul3A_50 : f32 to vector<16xf32>
        %mul3A_52 = arith.mulf %mul3A_51, %add3A_47 : vector<16xf32>
        %select_n3A = arith.select %gt3A_49, %add3A_47, %mul3A_52 : vector<16xi1>, vector<16xf32>
        %exp3A = math.exp %select_n3A : vector<16xf32>
        %get3A_53 = arith.index_cast %scan3A_38 : i32 to index
        %get3A_54 = arith.constant 0 : index
        %get3A_55 = tpu.vector_load %arg12[%get3A_53, %get3A_54] {strides = array<i32>} : memref<80x128xf32, #tpu.memory_space<vmem>>, vector<1x16xf32>,
        %get3A_56 = vector.shape_cast %get3A_55 : vector<1x16xf32> to vector<16xf32>
        %mul3A_57 = arith.mulf %exp3A, %get3A_56 : vector<16xf32>
        %swap3A = arith.index_cast %scan3A_38 : i32 to index
        %swap3A_58 = arith.constant 0 : index
        %swap3A_59 = tpu.vector_load %arg13[%swap3A, %swap3A_58] {strides = array<i32>} : memref<80x80xf32, #tpu.memory_space<vmem>>, vector<1x16xf32>,
        %swap3A_60 = vector.shape_cast %swap3A_59 : vector<1x16xf32> to vector<16xf32>
        %swap3A_61 = vector.shape_cast %mul3A_57 : vector<16xf32> to vector<1x16xf32>
        tpu.vector_store %arg13[%swap3A, %swap3A_58], %swap3A_61 {strides = array<i32>} : memref<80x80xf32, #tpu.memory_space<vmem>>, vector<1x16xf32>,
        %get3A_62 = arith.index_cast %scan3A_38 : i32 to index
        %get3A_63 = arith.constant 16 : index
        %get3A_64 = tpu.vector_load %arg10[%get3A_62, %get3A_63] {strides = array<i32>} : memref<80x128xf32, #tpu.memory_space<vmem>>, vector<1x16xf32>,
        %get3A_65 = vector.shape_cast %get3A_64 : vector<1x16xf32> to vector<16xf32>
        %get3A_66 = arith.index_cast %scan3A_38 : i32 to index
        %get3A_67 = arith.constant 16 : index
        %get3A_68 = tpu.vector_load %arg11[%get3A_66, %get3A_67] {strides = array<i32>} : memref<80x128xf32, #tpu.memory_space<vmem>>, vector<1x16xf32>,
        %get3A_69 = vector.shape_cast %get3A_68 : vector<1x16xf32> to vector<16xf32>
        %add3A_70 = arith.addf %get3A_65, %get3A_69 : vector<16xf32>
        %gt3A_71 = arith.constant 0.000000e+00 : f32
        %gt3A_72 = vector.broadcast %gt3A_71 : f32 to vector<16xf32>
        %gt3A_73 = arith.cmpf ogt, %add3A_70, %gt3A_72 : vector<16xf32>
        %mul3A_74 = arith.constant 2.000000e-01 : f32
        %mul3A_75 = vector.broadcast %mul3A_74 : f32 to vector<16xf32>
        %mul3A_76 = arith.mulf %mul3A_75, %add3A_70 : vector<16xf32>
        %select_n3A_77 = arith.select %gt3A_73, %add3A_70, %mul3A_76 : vector<16xi1>, vector<16xf32>
        %exp3A_78 = math.exp %select_n3A_77 : vector<16xf32>
        %get3A_79 = arith.index_cast %scan3A_38 : i32 to index
        %get3A_80 = arith.constant 16 : index
        %get3A_81 = tpu.vector_load %arg12[%get3A_79, %get3A_80] {strides = array<i32>} : memref<80x128xf32, #tpu.memory_space<vmem>>, vector<1x16xf32>,
        %get3A_82 = vector.shape_cast %get3A_81 : vector<1x16xf32> to vector<16xf32>
        %mul3A_83 = arith.mulf %exp3A_78, %get3A_82 : vector<16xf32>
        %swap3A_84 = arith.index_cast %scan3A_38 : i32 to index
        %swap3A_85 = arith.constant 16 : index
        %swap3A_86 = tpu.vector_load %arg13[%swap3A_84, %swap3A_85] {strides = array<i32>} : memref<80x80xf32, #tpu.memory_space<vmem>>, vector<1x16xf32>,
        %swap3A_87 = vector.shape_cast %swap3A_86 : vector<1x16xf32> to vector<16xf32>
        %swap3A_88 = vector.shape_cast %mul3A_83 : vector<16xf32> to vector<1x16xf32>
        tpu.vector_store %arg13[%swap3A_84, %swap3A_85], %swap3A_88 {strides = array<i32>} : memref<80x80xf32, #tpu.memory_space<vmem>>, vector<1x16xf32>,
        %get3A_89 = arith.index_cast %scan3A_38 : i32 to index
        %get3A_90 = arith.constant 32 : index
        %get3A_91 = tpu.vector_load %arg10[%get3A_89, %get3A_90] {strides = array<i32>} : memref<80x128xf32, #tpu.memory_space<vmem>>, vector<1x16xf32>,
        %get3A_92 = vector.shape_cast %get3A_91 : vector<1x16xf32> to vector<16xf32>
        %get3A_93 = arith.index_cast %scan3A_38 : i32 to index
        %get3A_94 = arith.constant 32 : index
        %get3A_95 = tpu.vector_load %arg11[%get3A_93, %get3A_94] {strides = array<i32>} : memref<80x128xf32, #tpu.memory_space<vmem>>, vector<1x16xf32>,
        %get3A_96 = vector.shape_cast %get3A_95 : vector<1x16xf32> to vector<16xf32>
        %add3A_97 = arith.addf %get3A_92, %get3A_96 : vector<16xf32>
        %gt3A_98 = arith.constant 0.000000e+00 : f32
        %gt3A_99 = vector.broadcast %gt3A_98 : f32 to vector<16xf32>
        %gt3A_100 = arith.cmpf ogt, %add3A_97, %gt3A_99 : vector<16xf32>
        %mul3A_101 = arith.constant 2.000000e-01 : f32
        %mul3A_102 = vector.broadcast %mul3A_101 : f32 to vector<16xf32>
        %mul3A_103 = arith.mulf %mul3A_102, %add3A_97 : vector<16xf32>
        %select_n3A_104 = arith.select %gt3A_100, %add3A_97, %mul3A_103 : vector<16xi1>, vector<16xf32>
        %exp3A_105 = math.exp %select_n3A_104 : vector<16xf32>
        %get3A_106 = arith.index_cast %scan3A_38 : i32 to index
        %get3A_107 = arith.constant 32 : index
        %get3A_108 = tpu.vector_load %arg12[%get3A_106, %get3A_107] {strides = array<i32>} : memref<80x128xf32, #tpu.memory_space<vmem>>, vector<1x16xf32>,
        %get3A_109 = vector.shape_cast %get3A_108 : vector<1x16xf32> to vector<16xf32>
        %mul3A_110 = arith.mulf %exp3A_105, %get3A_109 : vector<16xf32>
        %swap3A_111 = arith.index_cast %scan3A_38 : i32 to index
        %swap3A_112 = arith.constant 32 : index
        %swap3A_113 = tpu.vector_load %arg13[%swap3A_111, %swap3A_112] {strides = array<i32>} : memref<80x80xf32, #tpu.memory_space<vmem>>, vector<1x16xf32>,
        %swap3A_114 = vector.shape_cast %swap3A_113 : vector<1x16xf32> to vector<16xf32>
        %swap3A_115 = vector.shape_cast %mul3A_110 : vector<16xf32> to vector<1x16xf32>
        tpu.vector_store %arg13[%swap3A_111, %swap3A_112], %swap3A_115 {strides = array<i32>} : memref<80x80xf32, #tpu.memory_space<vmem>>, vector<1x16xf32>,
        %get3A_116 = arith.index_cast %scan3A_38 : i32 to index
        %get3A_117 = arith.constant 48 : index
        %get3A_118 = tpu.vector_load %arg10[%get3A_116, %get3A_117] {strides = array<i32>} : memref<80x128xf32, #tpu.memory_space<vmem>>, vector<1x16xf32>,
        %get3A_119 = vector.shape_cast %get3A_118 : vector<1x16xf32> to vector<16xf32>
        %get3A_120 = arith.index_cast %scan3A_38 : i32 to index
        %get3A_121 = arith.constant 48 : index
        %get3A_122 = tpu.vector_load %arg11[%get3A_120, %get3A_121] {strides = array<i32>} : memref<80x128xf32, #tpu.memory_space<vmem>>, vector<1x16xf32>,
        %get3A_123 = vector.shape_cast %get3A_122 : vector<1x16xf32> to vector<16xf32>
        %add3A_124 = arith.addf %get3A_119, %get3A_123 : vector<16xf32>
        %gt3A_125 = arith.constant 0.000000e+00 : f32
        %gt3A_126 = vector.broadcast %gt3A_125 : f32 to vector<16xf32>
        %gt3A_127 = arith.cmpf ogt, %add3A_124, %gt3A_126 : vector<16xf32>
        %mul3A_128 = arith.constant 2.000000e-01 : f32
        %mul3A_129 = vector.broadcast %mul3A_128 : f32 to vector<16xf32>
        %mul3A_130 = arith.mulf %mul3A_129, %add3A_124 : vector<16xf32>
        %select_n3A_131 = arith.select %gt3A_127, %add3A_124, %mul3A_130 : vector<16xi1>, vector<16xf32>
        %exp3A_132 = math.exp %select_n3A_131 : vector<16xf32>
        %get3A_133 = arith.index_cast %scan3A_38 : i32 to index
        %get3A_134 = arith.constant 48 : index
        %get3A_135 = tpu.vector_load %arg12[%get3A_133, %get3A_134] {strides = array<i32>} : memref<80x128xf32, #tpu.memory_space<vmem>>, vector<1x16xf32>,
        %get3A_136 = vector.shape_cast %get3A_135 : vector<1x16xf32> to vector<16xf32>
        %mul3A_137 = arith.mulf %exp3A_132, %get3A_136 : vector<16xf32>
        %swap3A_138 = arith.index_cast %scan3A_38 : i32 to index
        %swap3A_139 = arith.constant 48 : index
        %swap3A_140 = tpu.vector_load %arg13[%swap3A_138, %swap3A_139] {strides = array<i32>} : memref<80x80xf32, #tpu.memory_space<vmem>>, vector<1x16xf32>,
        %swap3A_141 = vector.shape_cast %swap3A_140 : vector<1x16xf32> to vector<16xf32>
        %swap3A_142 = vector.shape_cast %mul3A_137 : vector<16xf32> to vector<1x16xf32>
        tpu.vector_store %arg13[%swap3A_138, %swap3A_139], %swap3A_142 {strides = array<i32>} : memref<80x80xf32, #tpu.memory_space<vmem>>, vector<1x16xf32>,
        %get3A_143 = arith.index_cast %scan3A_38 : i32 to index
        %get3A_144 = arith.constant 64 : index
        %get3A_145 = tpu.vector_load %arg10[%get3A_143, %get3A_144] {strides = array<i32>} : memref<80x128xf32, #tpu.memory_space<vmem>>, vector<1x16xf32>,
        %get3A_146 = vector.shape_cast %get3A_145 : vector<1x16xf32> to vector<16xf32>
        %get3A_147 = arith.index_cast %scan3A_38 : i32 to index
        %get3A_148 = arith.constant 64 : index
        %get3A_149 = tpu.vector_load %arg11[%get3A_147, %get3A_148] {strides = array<i32>} : memref<80x128xf32, #tpu.memory_space<vmem>>, vector<1x16xf32>,
        %get3A_150 = vector.shape_cast %get3A_149 : vector<1x16xf32> to vector<16xf32>
        %add3A_151 = arith.addf %get3A_146, %get3A_150 : vector<16xf32>
        %gt3A_152 = arith.constant 0.000000e+00 : f32
        %gt3A_153 = vector.broadcast %gt3A_152 : f32 to vector<16xf32>
        %gt3A_154 = arith.cmpf ogt, %add3A_151, %gt3A_153 : vector<16xf32>
        %mul3A_155 = arith.constant 2.000000e-01 : f32
        %mul3A_156 = vector.broadcast %mul3A_155 : f32 to vector<16xf32>
        %mul3A_157 = arith.mulf %mul3A_156, %add3A_151 : vector<16xf32>
        %select_n3A_158 = arith.select %gt3A_154, %add3A_151, %mul3A_157 : vector<16xi1>, vector<16xf32>
        %exp3A_159 = math.exp %select_n3A_158 : vector<16xf32>
        %get3A_160 = arith.index_cast %scan3A_38 : i32 to index
        %get3A_161 = arith.constant 64 : index
        %get3A_162 = tpu.vector_load %arg12[%get3A_160, %get3A_161] {strides = array<i32>} : memref<80x128xf32, #tpu.memory_space<vmem>>, vector<1x16xf32>,
        %get3A_163 = vector.shape_cast %get3A_162 : vector<1x16xf32> to vector<16xf32>
        %mul3A_164 = arith.mulf %exp3A_159, %get3A_163 : vector<16xf32>
        %swap3A_165 = arith.index_cast %scan3A_38 : i32 to index
        %swap3A_166 = arith.constant 64 : index
        %swap3A_167 = tpu.vector_load %arg13[%swap3A_165, %swap3A_166] {strides = array<i32>} : memref<80x80xf32, #tpu.memory_space<vmem>>, vector<1x16xf32>,
        %swap3A_168 = vector.shape_cast %swap3A_167 : vector<1x16xf32> to vector<16xf32>
        %swap3A_169 = vector.shape_cast %mul3A_164 : vector<16xf32> to vector<1x16xf32>
        tpu.vector_store %arg13[%swap3A_165, %swap3A_166], %swap3A_169 {strides = array<i32>} : memref<80x80xf32, #tpu.memory_space<vmem>>, vector<1x16xf32>,
        %scan3A_170 = arith.constant 0 : i32
        scf.yield %scan3A_170 : i32
      }
      %scan3A_37 = arith.constant 80 : i32
      "tpu.region"() ({
        %run_scoped3A = tpu.sem_alloc : memref<!tpu.dma_semaphore, #tpu.memory_space<semaphore_mem>>
        %dma_start3A_38 = arith.constant 0 : i32
        %dma_start3A_39 = tpu.memref_slice %arg7[%add3A_14, %dma_start3A_38] : memref<320000x80xf32, #tpu.memory_space<hbm>> -> memref<80x80xf32, #tpu.memory_space<hbm>>
        %dma_start3A_40 = arith.constant 0 : i32
        %dma_start3A_41 = tpu.memref_slice %arg7[%add3A_14, %dma_start3A_40] : memref<320000x80xf32, #tpu.memory_space<hbm>> -> memref<80x80xf32, #tpu.memory_space<hbm>>
        tpu.enqueue_dma source(%arg13 : memref<80x80xf32, #tpu.memory_space<vmem>>) target(%dma_start3A_41 : memref<80x80xf32, #tpu.memory_space<hbm>>) target_semaphore(%run_scoped3A : memref<!tpu.dma_semaphore, #tpu.memory_space<semaphore_mem>>)
        %dma_wait3A_42 = arith.constant 0 : i32
        %dma_wait3A_43 = tpu.memref_slice %arg7[%add3A_14, %dma_wait3A_42] : memref<320000x80xf32, #tpu.memory_space<hbm>> -> memref<80x80xf32, #tpu.memory_space<hbm>>
        %dma_wait3A_44 = arith.constant 0 : i32
        %dma_wait3A_45 = tpu.memref_slice %arg7[%add3A_14, %dma_wait3A_44] : memref<320000x80xf32, #tpu.memory_space<hbm>> -> memref<80x80xf32, #tpu.memory_space<hbm>>
        tpu.wait_dma2 semaphore(%run_scoped3A : memref<!tpu.dma_semaphore, #tpu.memory_space<semaphore_mem>>) src(%arg13 : memref<80x80xf32, #tpu.memory_space<vmem>>) dst(%dma_wait3A_45 : memref<80x80xf32, #tpu.memory_space<hbm>>)
        tpu.yield
      }) : () -> ()
    }
    %scan3A_6 = arith.constant 125 : i32
    return
  }
}

#map = affine_map<(d0, d1) -> (0, 0)>
#map1 = affine_map<(d0, d1) -> (0)>
module attributes {stable_mosaic.version = 14 : i64} {
  func.func @sc_edge_w(%arg0: i32, %arg1: i32, %arg2: memref<10000x128xf32, #tpu.memory_space<hbm>>, %arg3: memref<10000x128xf32, #tpu.memory_space<hbm>>, %arg4: memref<10000x128xf32, #tpu.memory_space<hbm>>, %arg5: memref<320000xi32, #tpu.memory_space<hbm>>, %arg6: memref<320000xi32, #tpu.memory_space<hbm>>, %arg7: memref<320000x80xf32, #tpu.memory_space<hbm>>, %arg8: memref<80xi32, #tpu.memory_space<vmem>>, %arg9: memref<80xi32, #tpu.memory_space<vmem>>, %arg10: memref<80x128xf32, #tpu.memory_space<vmem>>, %arg11: memref<80x128xf32, #tpu.memory_space<vmem>>, %arg12: memref<80x128xf32, #tpu.memory_space<vmem>>, %arg13: memref<80x80xf32, #tpu.memory_space<vmem>>, %arg14: memref<!tpu.dma_semaphore, #tpu.memory_space<semaphore_mem>>) attributes {dimension_semantics = [#tpu.dimension_semantics<core_parallel>, #tpu.dimension_semantics<subcore_parallel>], iteration_bounds = array<i64: 2, 16>, scalar_prefetch = 0 : i64, scratch_operands = 7 : i64, tpu.core_type = #tpu.core_type<sc_vector_subcore>, window_params = [{transform_indices = #map}, {transform_indices = #map}, {transform_indices = #map}, {transform_indices = #map1}, {transform_indices = #map1}, {transform_indices = #map}]} {
    %mul3A = arith.constant 16 : i32
    %mul3A_0 = arith.muli %arg0, %mul3A : i32
    %add3A = arith.addi %mul3A_0, %arg1 : i32
    %mul3A_1 = arith.constant 10000 : i32
    %mul3A_2 = arith.muli %add3A, %mul3A_1 : i32
    %scan3A = arith.constant 0 : i32
    %scan3A_3 = arith.constant 125 : i32
    %scan3A_4 = arith.addi %scan3A, %scan3A_3 : i32
    %scan3A_5 = arith.constant 1 : i32
    scf.for %scan3A_7 = %scan3A to %scan3A_4 step %scan3A_5  : i32 {
      %mul3A_8 = arith.constant 1 : i32
      %mul3A_9 = arith.muli %scan3A_7, %mul3A_8 : i32
      %add3A_10 = arith.constant 0 : i32
      %add3A_11 = arith.addi %add3A_10, %mul3A_9 : i32
      %mul3A_12 = arith.constant 80 : i32
      %mul3A_13 = arith.muli %add3A_11, %mul3A_12 : i32
      %add3A_14 = arith.addi %mul3A_2, %mul3A_13 : i32
      "tpu.region"() ({
        %run_scoped3A = tpu.sem_alloc : memref<!tpu.dma_semaphore, #tpu.memory_space<semaphore_mem>>
        %dma_start3A_38 = tpu.memref_slice %arg5[%add3A_14] : memref<320000xi32, #tpu.memory_space<hbm>> -> memref<80xi32, #tpu.memory_space<hbm>>
        %dma_start3A_39 = tpu.memref_slice %arg5[%add3A_14] : memref<320000xi32, #tpu.memory_space<hbm>> -> memref<80xi32, #tpu.memory_space<hbm>>
        tpu.enqueue_dma source(%dma_start3A_39 : memref<80xi32, #tpu.memory_space<hbm>>) target(%arg8 : memref<80xi32, #tpu.memory_space<vmem>>) target_semaphore(%run_scoped3A : memref<!tpu.dma_semaphore, #tpu.memory_space<semaphore_mem>>)
        %dma_wait3A_40 = tpu.memref_slice %arg5[%add3A_14] : memref<320000xi32, #tpu.memory_space<hbm>> -> memref<80xi32, #tpu.memory_space<hbm>>
        %dma_wait3A_41 = tpu.memref_slice %arg5[%add3A_14] : memref<320000xi32, #tpu.memory_space<hbm>> -> memref<80xi32, #tpu.memory_space<hbm>>
        tpu.wait_dma2 semaphore(%run_scoped3A : memref<!tpu.dma_semaphore, #tpu.memory_space<semaphore_mem>>) src(%dma_wait3A_41 : memref<80xi32, #tpu.memory_space<hbm>>) dst(%arg8 : memref<80xi32, #tpu.memory_space<vmem>>)
        tpu.yield
      }) : () -> ()
      %dma_start3A = arith.constant 0 : i32
      %dma_start3A_15 = arith.constant 0 : i32
      %dma_start3A_16 = tpu.memref_slice %arg2[%dma_start3A, %dma_start3A_15] : memref<10000x128xf32, #tpu.memory_space<hbm>> -> memref<10000x128xf32, #tpu.memory_space<hbm>>
      tpu.enqueue_indirect_dma source(%dma_start3A_16 : memref<10000x128xf32, #tpu.memory_space<hbm>>) target(%arg10 : memref<80x128xf32, #tpu.memory_space<vmem>>) offsets(%arg8 : memref<80xi32, #tpu.memory_space<vmem>>) semaphore(%arg14 : memref<!tpu.dma_semaphore, #tpu.memory_space<semaphore_mem>>)
      %dma_start3A_17 = arith.constant 0 : i32
      %dma_start3A_18 = arith.constant 0 : i32
      %dma_start3A_19 = tpu.memref_slice %arg4[%dma_start3A_17, %dma_start3A_18] : memref<10000x128xf32, #tpu.memory_space<hbm>> -> memref<10000x128xf32, #tpu.memory_space<hbm>>
      tpu.enqueue_indirect_dma source(%dma_start3A_19 : memref<10000x128xf32, #tpu.memory_space<hbm>>) target(%arg12 : memref<80x128xf32, #tpu.memory_space<vmem>>) offsets(%arg8 : memref<80xi32, #tpu.memory_space<vmem>>) semaphore(%arg14 : memref<!tpu.dma_semaphore, #tpu.memory_space<semaphore_mem>>)
      "tpu.region"() ({
        %run_scoped3A = tpu.sem_alloc : memref<!tpu.dma_semaphore, #tpu.memory_space<semaphore_mem>>
        %dma_start3A_38 = tpu.memref_slice %arg6[%add3A_14] : memref<320000xi32, #tpu.memory_space<hbm>> -> memref<80xi32, #tpu.memory_space<hbm>>
        %dma_start3A_39 = tpu.memref_slice %arg6[%add3A_14] : memref<320000xi32, #tpu.memory_space<hbm>> -> memref<80xi32, #tpu.memory_space<hbm>>
        tpu.enqueue_dma source(%dma_start3A_39 : memref<80xi32, #tpu.memory_space<hbm>>) target(%arg9 : memref<80xi32, #tpu.memory_space<vmem>>) target_semaphore(%run_scoped3A : memref<!tpu.dma_semaphore, #tpu.memory_space<semaphore_mem>>)
        %dma_wait3A_40 = tpu.memref_slice %arg6[%add3A_14] : memref<320000xi32, #tpu.memory_space<hbm>> -> memref<80xi32, #tpu.memory_space<hbm>>
        %dma_wait3A_41 = tpu.memref_slice %arg6[%add3A_14] : memref<320000xi32, #tpu.memory_space<hbm>> -> memref<80xi32, #tpu.memory_space<hbm>>
        tpu.wait_dma2 semaphore(%run_scoped3A : memref<!tpu.dma_semaphore, #tpu.memory_space<semaphore_mem>>) src(%dma_wait3A_41 : memref<80xi32, #tpu.memory_space<hbm>>) dst(%arg9 : memref<80xi32, #tpu.memory_space<vmem>>)
        tpu.yield
      }) : () -> ()
      %dma_start3A_20 = arith.constant 0 : i32
      %dma_start3A_21 = arith.constant 0 : i32
      %dma_start3A_22 = tpu.memref_slice %arg3[%dma_start3A_20, %dma_start3A_21] : memref<10000x128xf32, #tpu.memory_space<hbm>> -> memref<10000x128xf32, #tpu.memory_space<hbm>>
      tpu.enqueue_indirect_dma source(%dma_start3A_22 : memref<10000x128xf32, #tpu.memory_space<hbm>>) target(%arg11 : memref<80x128xf32, #tpu.memory_space<vmem>>) offsets(%arg9 : memref<80xi32, #tpu.memory_space<vmem>>) semaphore(%arg14 : memref<!tpu.dma_semaphore, #tpu.memory_space<semaphore_mem>>)
      %dma_wait3A = arith.constant 0 : i32
      %dma_wait3A_23 = arith.constant 0 : i32
      %dma_wait3A_24 = tpu.memref_slice %arg2[%dma_wait3A, %dma_wait3A_23] : memref<10000x128xf32, #tpu.memory_space<hbm>> -> memref<10000x128xf32, #tpu.memory_space<hbm>>
      tpu.wait_indirect_dma semaphore(%arg14 : memref<!tpu.dma_semaphore, #tpu.memory_space<semaphore_mem>>) src(%dma_wait3A_24 : memref<10000x128xf32, #tpu.memory_space<hbm>>) dst(%arg10 : memref<80x128xf32, #tpu.memory_space<vmem>>)
      %dma_wait3A_25 = arith.constant 0 : i32
      %dma_wait3A_26 = arith.constant 0 : i32
      %dma_wait3A_27 = tpu.memref_slice %arg4[%dma_wait3A_25, %dma_wait3A_26] : memref<10000x128xf32, #tpu.memory_space<hbm>> -> memref<10000x128xf32, #tpu.memory_space<hbm>>
      tpu.wait_indirect_dma semaphore(%arg14 : memref<!tpu.dma_semaphore, #tpu.memory_space<semaphore_mem>>) src(%dma_wait3A_27 : memref<10000x128xf32, #tpu.memory_space<hbm>>) dst(%arg12 : memref<80x128xf32, #tpu.memory_space<vmem>>)
      %dma_wait3A_28 = arith.constant 0 : i32
      %dma_wait3A_29 = arith.constant 0 : i32
      %dma_wait3A_30 = tpu.memref_slice %arg3[%dma_wait3A_28, %dma_wait3A_29] : memref<10000x128xf32, #tpu.memory_space<hbm>> -> memref<10000x128xf32, #tpu.memory_space<hbm>>
      tpu.wait_indirect_dma semaphore(%arg14 : memref<!tpu.dma_semaphore, #tpu.memory_space<semaphore_mem>>) src(%dma_wait3A_30 : memref<10000x128xf32, #tpu.memory_space<hbm>>) dst(%arg11 : memref<80x128xf32, #tpu.memory_space<vmem>>)
      %scan3A_31 = arith.constant 0 : i32
      %scan3A_32 = arith.constant 0 : i32
      %scan3A_33 = arith.constant 80 : i32
      %scan3A_34 = arith.addi %scan3A_32, %scan3A_33 : i32
      %scan3A_35 = arith.constant 1 : i32
      %scan3A_36 = scf.for %scan3A_38 = %scan3A_32 to %scan3A_34 step %scan3A_35 iter_args(%scan3A_39 = %scan3A_31) -> (i32)  : i32 {
        %get3A = arith.index_cast %scan3A_38 : i32 to index
        %get3A_40 = arith.constant 0 : index
        %get3A_41 = tpu.vector_load %arg10[%get3A, %get3A_40] {strides = array<i32>} : memref<80x128xf32, #tpu.memory_space<vmem>>, vector<1x16xf32>,
        %get3A_42 = vector.shape_cast %get3A_41 : vector<1x16xf32> to vector<16xf32>
        %get3A_43 = arith.index_cast %scan3A_38 : i32 to index
        %get3A_44 = arith.constant 0 : index
        %get3A_45 = tpu.vector_load %arg11[%get3A_43, %get3A_44] {strides = array<i32>} : memref<80x128xf32, #tpu.memory_space<vmem>>, vector<1x16xf32>,
        %get3A_46 = vector.shape_cast %get3A_45 : vector<1x16xf32> to vector<16xf32>
        %add3A_47 = arith.addf %get3A_42, %get3A_46 : vector<16xf32>
        %gt3A = arith.constant 0.000000e+00 : f32
        %gt3A_48 = vector.broadcast %gt3A : f32 to vector<16xf32>
        %gt3A_49 = arith.cmpf ogt, %add3A_47, %gt3A_48 : vector<16xf32>
        %mul3A_50 = arith.constant 2.000000e-01 : f32
        %mul3A_51 = vector.broadcast %mul3A_50 : f32 to vector<16xf32>
        %mul3A_52 = arith.mulf %mul3A_51, %add3A_47 : vector<16xf32>
        %select_n3A = arith.select %gt3A_49, %add3A_47, %mul3A_52 : vector<16xi1>, vector<16xf32>
        %exp3A = math.exp %select_n3A : vector<16xf32>
        %get3A_53 = arith.index_cast %scan3A_38 : i32 to index
        %get3A_54 = arith.constant 0 : index
        %get3A_55 = tpu.vector_load %arg12[%get3A_53, %get3A_54] {strides = array<i32>} : memref<80x128xf32, #tpu.memory_space<vmem>>, vector<1x16xf32>,
        %get3A_56 = vector.shape_cast %get3A_55 : vector<1x16xf32> to vector<16xf32>
        %mul3A_57 = arith.mulf %exp3A, %get3A_56 : vector<16xf32>
        %swap3A = arith.index_cast %scan3A_38 : i32 to index
        %swap3A_58 = arith.constant 0 : index
        %swap3A_59 = tpu.vector_load %arg13[%swap3A, %swap3A_58] {strides = array<i32>} : memref<80x80xf32, #tpu.memory_space<vmem>>, vector<1x16xf32>,
        %swap3A_60 = vector.shape_cast %swap3A_59 : vector<1x16xf32> to vector<16xf32>
        %swap3A_61 = vector.shape_cast %mul3A_57 : vector<16xf32> to vector<1x16xf32>
        tpu.vector_store %arg13[%swap3A, %swap3A_58], %swap3A_61 {strides = array<i32>} : memref<80x80xf32, #tpu.memory_space<vmem>>, vector<1x16xf32>,
        %get3A_62 = arith.index_cast %scan3A_38 : i32 to index
        %get3A_63 = arith.constant 16 : index
        %get3A_64 = tpu.vector_load %arg10[%get3A_62, %get3A_63] {strides = array<i32>} : memref<80x128xf32, #tpu.memory_space<vmem>>, vector<1x16xf32>,
        %get3A_65 = vector.shape_cast %get3A_64 : vector<1x16xf32> to vector<16xf32>
        %get3A_66 = arith.index_cast %scan3A_38 : i32 to index
        %get3A_67 = arith.constant 16 : index
        %get3A_68 = tpu.vector_load %arg11[%get3A_66, %get3A_67] {strides = array<i32>} : memref<80x128xf32, #tpu.memory_space<vmem>>, vector<1x16xf32>,
        %get3A_69 = vector.shape_cast %get3A_68 : vector<1x16xf32> to vector<16xf32>
        %add3A_70 = arith.addf %get3A_65, %get3A_69 : vector<16xf32>
        %gt3A_71 = arith.constant 0.000000e+00 : f32
        %gt3A_72 = vector.broadcast %gt3A_71 : f32 to vector<16xf32>
        %gt3A_73 = arith.cmpf ogt, %add3A_70, %gt3A_72 : vector<16xf32>
        %mul3A_74 = arith.constant 2.000000e-01 : f32
        %mul3A_75 = vector.broadcast %mul3A_74 : f32 to vector<16xf32>
        %mul3A_76 = arith.mulf %mul3A_75, %add3A_70 : vector<16xf32>
        %select_n3A_77 = arith.select %gt3A_73, %add3A_70, %mul3A_76 : vector<16xi1>, vector<16xf32>
        %exp3A_78 = math.exp %select_n3A_77 : vector<16xf32>
        %get3A_79 = arith.index_cast %scan3A_38 : i32 to index
        %get3A_80 = arith.constant 16 : index
        %get3A_81 = tpu.vector_load %arg12[%get3A_79, %get3A_80] {strides = array<i32>} : memref<80x128xf32, #tpu.memory_space<vmem>>, vector<1x16xf32>,
        %get3A_82 = vector.shape_cast %get3A_81 : vector<1x16xf32> to vector<16xf32>
        %mul3A_83 = arith.mulf %exp3A_78, %get3A_82 : vector<16xf32>
        %swap3A_84 = arith.index_cast %scan3A_38 : i32 to index
        %swap3A_85 = arith.constant 16 : index
        %swap3A_86 = tpu.vector_load %arg13[%swap3A_84, %swap3A_85] {strides = array<i32>} : memref<80x80xf32, #tpu.memory_space<vmem>>, vector<1x16xf32>,
        %swap3A_87 = vector.shape_cast %swap3A_86 : vector<1x16xf32> to vector<16xf32>
        %swap3A_88 = vector.shape_cast %mul3A_83 : vector<16xf32> to vector<1x16xf32>
        tpu.vector_store %arg13[%swap3A_84, %swap3A_85], %swap3A_88 {strides = array<i32>} : memref<80x80xf32, #tpu.memory_space<vmem>>, vector<1x16xf32>,
        %get3A_89 = arith.index_cast %scan3A_38 : i32 to index
        %get3A_90 = arith.constant 32 : index
        %get3A_91 = tpu.vector_load %arg10[%get3A_89, %get3A_90] {strides = array<i32>} : memref<80x128xf32, #tpu.memory_space<vmem>>, vector<1x16xf32>,
        %get3A_92 = vector.shape_cast %get3A_91 : vector<1x16xf32> to vector<16xf32>
        %get3A_93 = arith.index_cast %scan3A_38 : i32 to index
        %get3A_94 = arith.constant 32 : index
        %get3A_95 = tpu.vector_load %arg11[%get3A_93, %get3A_94] {strides = array<i32>} : memref<80x128xf32, #tpu.memory_space<vmem>>, vector<1x16xf32>,
        %get3A_96 = vector.shape_cast %get3A_95 : vector<1x16xf32> to vector<16xf32>
        %add3A_97 = arith.addf %get3A_92, %get3A_96 : vector<16xf32>
        %gt3A_98 = arith.constant 0.000000e+00 : f32
        %gt3A_99 = vector.broadcast %gt3A_98 : f32 to vector<16xf32>
        %gt3A_100 = arith.cmpf ogt, %add3A_97, %gt3A_99 : vector<16xf32>
        %mul3A_101 = arith.constant 2.000000e-01 : f32
        %mul3A_102 = vector.broadcast %mul3A_101 : f32 to vector<16xf32>
        %mul3A_103 = arith.mulf %mul3A_102, %add3A_97 : vector<16xf32>
        %select_n3A_104 = arith.select %gt3A_100, %add3A_97, %mul3A_103 : vector<16xi1>, vector<16xf32>
        %exp3A_105 = math.exp %select_n3A_104 : vector<16xf32>
        %get3A_106 = arith.index_cast %scan3A_38 : i32 to index
        %get3A_107 = arith.constant 32 : index
        %get3A_108 = tpu.vector_load %arg12[%get3A_106, %get3A_107] {strides = array<i32>} : memref<80x128xf32, #tpu.memory_space<vmem>>, vector<1x16xf32>,
        %get3A_109 = vector.shape_cast %get3A_108 : vector<1x16xf32> to vector<16xf32>
        %mul3A_110 = arith.mulf %exp3A_105, %get3A_109 : vector<16xf32>
        %swap3A_111 = arith.index_cast %scan3A_38 : i32 to index
        %swap3A_112 = arith.constant 32 : index
        %swap3A_113 = tpu.vector_load %arg13[%swap3A_111, %swap3A_112] {strides = array<i32>} : memref<80x80xf32, #tpu.memory_space<vmem>>, vector<1x16xf32>,
        %swap3A_114 = vector.shape_cast %swap3A_113 : vector<1x16xf32> to vector<16xf32>
        %swap3A_115 = vector.shape_cast %mul3A_110 : vector<16xf32> to vector<1x16xf32>
        tpu.vector_store %arg13[%swap3A_111, %swap3A_112], %swap3A_115 {strides = array<i32>} : memref<80x80xf32, #tpu.memory_space<vmem>>, vector<1x16xf32>,
        %get3A_116 = arith.index_cast %scan3A_38 : i32 to index
        %get3A_117 = arith.constant 48 : index
        %get3A_118 = tpu.vector_load %arg10[%get3A_116, %get3A_117] {strides = array<i32>} : memref<80x128xf32, #tpu.memory_space<vmem>>, vector<1x16xf32>,
        %get3A_119 = vector.shape_cast %get3A_118 : vector<1x16xf32> to vector<16xf32>
        %get3A_120 = arith.index_cast %scan3A_38 : i32 to index
        %get3A_121 = arith.constant 48 : index
        %get3A_122 = tpu.vector_load %arg11[%get3A_120, %get3A_121] {strides = array<i32>} : memref<80x128xf32, #tpu.memory_space<vmem>>, vector<1x16xf32>,
        %get3A_123 = vector.shape_cast %get3A_122 : vector<1x16xf32> to vector<16xf32>
        %add3A_124 = arith.addf %get3A_119, %get3A_123 : vector<16xf32>
        %gt3A_125 = arith.constant 0.000000e+00 : f32
        %gt3A_126 = vector.broadcast %gt3A_125 : f32 to vector<16xf32>
        %gt3A_127 = arith.cmpf ogt, %add3A_124, %gt3A_126 : vector<16xf32>
        %mul3A_128 = arith.constant 2.000000e-01 : f32
        %mul3A_129 = vector.broadcast %mul3A_128 : f32 to vector<16xf32>
        %mul3A_130 = arith.mulf %mul3A_129, %add3A_124 : vector<16xf32>
        %select_n3A_131 = arith.select %gt3A_127, %add3A_124, %mul3A_130 : vector<16xi1>, vector<16xf32>
        %exp3A_132 = math.exp %select_n3A_131 : vector<16xf32>
        %get3A_133 = arith.index_cast %scan3A_38 : i32 to index
        %get3A_134 = arith.constant 48 : index
        %get3A_135 = tpu.vector_load %arg12[%get3A_133, %get3A_134] {strides = array<i32>} : memref<80x128xf32, #tpu.memory_space<vmem>>, vector<1x16xf32>,
        %get3A_136 = vector.shape_cast %get3A_135 : vector<1x16xf32> to vector<16xf32>
        %mul3A_137 = arith.mulf %exp3A_132, %get3A_136 : vector<16xf32>
        %swap3A_138 = arith.index_cast %scan3A_38 : i32 to index
        %swap3A_139 = arith.constant 48 : index
        %swap3A_140 = tpu.vector_load %arg13[%swap3A_138, %swap3A_139] {strides = array<i32>} : memref<80x80xf32, #tpu.memory_space<vmem>>, vector<1x16xf32>,
        %swap3A_141 = vector.shape_cast %swap3A_140 : vector<1x16xf32> to vector<16xf32>
        %swap3A_142 = vector.shape_cast %mul3A_137 : vector<16xf32> to vector<1x16xf32>
        tpu.vector_store %arg13[%swap3A_138, %swap3A_139], %swap3A_142 {strides = array<i32>} : memref<80x80xf32, #tpu.memory_space<vmem>>, vector<1x16xf32>,
        %get3A_143 = arith.index_cast %scan3A_38 : i32 to index
        %get3A_144 = arith.constant 64 : index
        %get3A_145 = tpu.vector_load %arg10[%get3A_143, %get3A_144] {strides = array<i32>} : memref<80x128xf32, #tpu.memory_space<vmem>>, vector<1x16xf32>,
        %get3A_146 = vector.shape_cast %get3A_145 : vector<1x16xf32> to vector<16xf32>
        %get3A_147 = arith.index_cast %scan3A_38 : i32 to index
        %get3A_148 = arith.constant 64 : index
        %get3A_149 = tpu.vector_load %arg11[%get3A_147, %get3A_148] {strides = array<i32>} : memref<80x128xf32, #tpu.memory_space<vmem>>, vector<1x16xf32>,
        %get3A_150 = vector.shape_cast %get3A_149 : vector<1x16xf32> to vector<16xf32>
        %add3A_151 = arith.addf %get3A_146, %get3A_150 : vector<16xf32>
        %gt3A_152 = arith.constant 0.000000e+00 : f32
        %gt3A_153 = vector.broadcast %gt3A_152 : f32 to vector<16xf32>
        %gt3A_154 = arith.cmpf ogt, %add3A_151, %gt3A_153 : vector<16xf32>
        %mul3A_155 = arith.constant 2.000000e-01 : f32
        %mul3A_156 = vector.broadcast %mul3A_155 : f32 to vector<16xf32>
        %mul3A_157 = arith.mulf %mul3A_156, %add3A_151 : vector<16xf32>
        %select_n3A_158 = arith.select %gt3A_154, %add3A_151, %mul3A_157 : vector<16xi1>, vector<16xf32>
        %exp3A_159 = math.exp %select_n3A_158 : vector<16xf32>
        %get3A_160 = arith.index_cast %scan3A_38 : i32 to index
        %get3A_161 = arith.constant 64 : index
        %get3A_162 = tpu.vector_load %arg12[%get3A_160, %get3A_161] {strides = array<i32>} : memref<80x128xf32, #tpu.memory_space<vmem>>, vector<1x16xf32>,
        %get3A_163 = vector.shape_cast %get3A_162 : vector<1x16xf32> to vector<16xf32>
        %mul3A_164 = arith.mulf %exp3A_159, %get3A_163 : vector<16xf32>
        %swap3A_165 = arith.index_cast %scan3A_38 : i32 to index
        %swap3A_166 = arith.constant 64 : index
        %swap3A_167 = tpu.vector_load %arg13[%swap3A_165, %swap3A_166] {strides = array<i32>} : memref<80x80xf32, #tpu.memory_space<vmem>>, vector<1x16xf32>,
        %swap3A_168 = vector.shape_cast %swap3A_167 : vector<1x16xf32> to vector<16xf32>
        %swap3A_169 = vector.shape_cast %mul3A_164 : vector<16xf32> to vector<1x16xf32>
        tpu.vector_store %arg13[%swap3A_165, %swap3A_166], %swap3A_169 {strides = array<i32>} : memref<80x80xf32, #tpu.memory_space<vmem>>, vector<1x16xf32>,
        %scan3A_170 = arith.constant 0 : i32
        scf.yield %scan3A_170 : i32
      }
      %scan3A_37 = arith.constant 80 : i32
      "tpu.region"() ({
        %run_scoped3A = tpu.sem_alloc : memref<!tpu.dma_semaphore, #tpu.memory_space<semaphore_mem>>
        %dma_start3A_38 = arith.constant 0 : i32
        %dma_start3A_39 = tpu.memref_slice %arg7[%add3A_14, %dma_start3A_38] : memref<320000x80xf32, #tpu.memory_space<hbm>> -> memref<80x80xf32, #tpu.memory_space<hbm>>
        %dma_start3A_40 = arith.constant 0 : i32
        %dma_start3A_41 = tpu.memref_slice %arg7[%add3A_14, %dma_start3A_40] : memref<320000x80xf32, #tpu.memory_space<hbm>> -> memref<80x80xf32, #tpu.memory_space<hbm>>
        tpu.enqueue_dma source(%arg13 : memref<80x80xf32, #tpu.memory_space<vmem>>) target(%dma_start3A_41 : memref<80x80xf32, #tpu.memory_space<hbm>>) target_semaphore(%run_scoped3A : memref<!tpu.dma_semaphore, #tpu.memory_space<semaphore_mem>>)
        %dma_wait3A_42 = arith.constant 0 : i32
        %dma_wait3A_43 = tpu.memref_slice %arg7[%add3A_14, %dma_wait3A_42] : memref<320000x80xf32, #tpu.memory_space<hbm>> -> memref<80x80xf32, #tpu.memory_space<hbm>>
        %dma_wait3A_44 = arith.constant 0 : i32
        %dma_wait3A_45 = tpu.memref_slice %arg7[%add3A_14, %dma_wait3A_44] : memref<320000x80xf32, #tpu.memory_space<hbm>> -> memref<80x80xf32, #tpu.memory_space<hbm>>
        tpu.wait_dma2 semaphore(%run_scoped3A : memref<!tpu.dma_semaphore, #tpu.memory_space<semaphore_mem>>) src(%arg13 : memref<80x80xf32, #tpu.memory_space<vmem>>) dst(%dma_wait3A_45 : memref<80x80xf32, #tpu.memory_space<hbm>>)
        tpu.yield
      }) : () -> ()
    }
    %scan3A_6 = arith.constant 125 : i32
    return
  }
}

#map = affine_map<(d0, d1) -> (0, 0)>
#map1 = affine_map<(d0, d1) -> (0)>
#map2 = affine_map<(d0, d1) -> (0, 0, 0)>
module attributes {stable_mosaic.version = 14 : i64} {
  func.func @sc_edge_acc(%arg0: i32, %arg1: i32, %arg2: memref<320000x80xf32, #tpu.memory_space<hbm>>, %arg3: memref<320000xi32, #tpu.memory_space<hbm>>, %arg4: memref<2x10000x80xf32, #tpu.memory_space<hbm>>, %arg5: memref<80xi32, #tpu.memory_space<vmem>>, %arg6: memref<80x80xf32, #tpu.memory_space<vmem>>, %arg7: memref<104x80xf32, #tpu.memory_space<vmem>>, %arg8: memref<10000x80xf32, #tpu.memory_space<vmem_shared>>) attributes {dimension_semantics = [#tpu.dimension_semantics<core_parallel>, #tpu.dimension_semantics<subcore_parallel>], iteration_bounds = array<i64: 2, 16>, scalar_prefetch = 0 : i64, scratch_operands = 4 : i64, tpu.core_type = #tpu.core_type<sc_vector_subcore>, window_params = [{transform_indices = #map}, {transform_indices = #map1}, {transform_indices = #map2}]} {
    %scan3A = arith.constant 0 : i32
    %scan3A_0 = arith.constant 0 : i32
    %scan3A_1 = arith.constant 104 : i32
    %scan3A_2 = arith.addi %scan3A_0, %scan3A_1 : i32
    %scan3A_3 = arith.constant 1 : i32
    %scan3A_4 = scf.for %scan3A_31 = %scan3A_0 to %scan3A_2 step %scan3A_3 iter_args(%scan3A_32 = %scan3A) -> (i32)  : i32 {
      %broadcast_in_dim3A = arith.constant 0.000000e+00 : f32
      %broadcast_in_dim3A_33 = vector.broadcast %broadcast_in_dim3A : f32 to vector<16xf32>
      %swap3A = arith.index_cast %scan3A_31 : i32 to index
      %swap3A_34 = arith.constant 0 : index
      %swap3A_35 = tpu.vector_load %arg7[%swap3A, %swap3A_34] {strides = array<i32>} : memref<104x80xf32, #tpu.memory_space<vmem>>, vector<1x16xf32>,
      %swap3A_36 = vector.shape_cast %swap3A_35 : vector<1x16xf32> to vector<16xf32>
      %swap3A_37 = vector.shape_cast %broadcast_in_dim3A_33 : vector<16xf32> to vector<1x16xf32>
      tpu.vector_store %arg7[%swap3A, %swap3A_34], %swap3A_37 {strides = array<i32>} : memref<104x80xf32, #tpu.memory_space<vmem>>, vector<1x16xf32>,
      %broadcast_in_dim3A_38 = arith.constant 0.000000e+00 : f32
      %broadcast_in_dim3A_39 = vector.broadcast %broadcast_in_dim3A_38 : f32 to vector<16xf32>
      %swap3A_40 = arith.index_cast %scan3A_31 : i32 to index
      %swap3A_41 = arith.constant 16 : index
      %swap3A_42 = tpu.vector_load %arg7[%swap3A_40, %swap3A_41] {strides = array<i32>} : memref<104x80xf32, #tpu.memory_space<vmem>>, vector<1x16xf32>,
      %swap3A_43 = vector.shape_cast %swap3A_42 : vector<1x16xf32> to vector<16xf32>
      %swap3A_44 = vector.shape_cast %broadcast_in_dim3A_39 : vector<16xf32> to vector<1x16xf32>
      tpu.vector_store %arg7[%swap3A_40, %swap3A_41], %swap3A_44 {strides = array<i32>} : memref<104x80xf32, #tpu.memory_space<vmem>>, vector<1x16xf32>,
      %broadcast_in_dim3A_45 = arith.constant 0.000000e+00 : f32
      %broadcast_in_dim3A_46 = vector.broadcast %broadcast_in_dim3A_45 : f32 to vector<16xf32>
      %swap3A_47 = arith.index_cast %scan3A_31 : i32 to index
      %swap3A_48 = arith.constant 32 : index
      %swap3A_49 = tpu.vector_load %arg7[%swap3A_47, %swap3A_48] {strides = array<i32>} : memref<104x80xf32, #tpu.memory_space<vmem>>, vector<1x16xf32>,
      %swap3A_50 = vector.shape_cast %swap3A_49 : vector<1x16xf32> to vector<16xf32>
      %swap3A_51 = vector.shape_cast %broadcast_in_dim3A_46 : vector<16xf32> to vector<1x16xf32>
      tpu.vector_store %arg7[%swap3A_47, %swap3A_48], %swap3A_51 {strides = array<i32>} : memref<104x80xf32, #tpu.memory_space<vmem>>, vector<1x16xf32>,
      %broadcast_in_dim3A_52 = arith.constant 0.000000e+00 : f32
      %broadcast_in_dim3A_53 = vector.broadcast %broadcast_in_dim3A_52 : f32 to vector<16xf32>
      %swap3A_54 = arith.index_cast %scan3A_31 : i32 to index
      %swap3A_55 = arith.constant 48 : index
      %swap3A_56 = tpu.vector_load %arg7[%swap3A_54, %swap3A_55] {strides = array<i32>} : memref<104x80xf32, #tpu.memory_space<vmem>>, vector<1x16xf32>,
      %swap3A_57 = vector.shape_cast %swap3A_56 : vector<1x16xf32> to vector<16xf32>
      %swap3A_58 = vector.shape_cast %broadcast_in_dim3A_53 : vector<16xf32> to vector<1x16xf32>
      tpu.vector_store %arg7[%swap3A_54, %swap3A_55], %swap3A_58 {strides = array<i32>} : memref<104x80xf32, #tpu.memory_space<vmem>>, vector<1x16xf32>,
      %broadcast_in_dim3A_59 = arith.constant 0.000000e+00 : f32
      %broadcast_in_dim3A_60 = vector.broadcast %broadcast_in_dim3A_59 : f32 to vector<16xf32>
      %swap3A_61 = arith.index_cast %scan3A_31 : i32 to index
      %swap3A_62 = arith.constant 64 : index
      %swap3A_63 = tpu.vector_load %arg7[%swap3A_61, %swap3A_62] {strides = array<i32>} : memref<104x80xf32, #tpu.memory_space<vmem>>, vector<1x16xf32>,
      %swap3A_64 = vector.shape_cast %swap3A_63 : vector<1x16xf32> to vector<16xf32>
      %swap3A_65 = vector.shape_cast %broadcast_in_dim3A_60 : vector<16xf32> to vector<1x16xf32>
      tpu.vector_store %arg7[%swap3A_61, %swap3A_62], %swap3A_65 {strides = array<i32>} : memref<104x80xf32, #tpu.memory_space<vmem>>, vector<1x16xf32>,
      %scan3A_66 = arith.constant 0 : i32
      scf.yield %scan3A_66 : i32
    }
    %scan3A_5 = arith.constant 104 : i32
    %scan3A_6 = arith.constant 0 : i32
    %scan3A_7 = arith.constant 0 : i32
    %scan3A_8 = arith.constant 6 : i32
    %scan3A_9 = arith.addi %scan3A_7, %scan3A_8 : i32
    %scan3A_10 = arith.constant 1 : i32
    %scan3A_11 = scf.for %scan3A_31 = %scan3A_7 to %scan3A_9 step %scan3A_10 iter_args(%scan3A_32 = %scan3A_6) -> (i32)  : i32 {
      %mul3A_33 = arith.constant 624 : i32
      %mul3A_34 = arith.muli %arg1, %mul3A_33 : i32
      %mul3A_35 = arith.constant 104 : i32
      %mul3A_36 = arith.muli %scan3A_31, %mul3A_35 : i32
      %add3A_37 = arith.addi %mul3A_34, %mul3A_36 : i32
      "tpu.region"() ({
        %run_scoped3A = tpu.sem_alloc : memref<!tpu.dma_semaphore, #tpu.memory_space<semaphore_mem>>
        %dma_start3A = arith.constant 0 : i32
        %dma_start3A_39 = tpu.memref_slice %arg8[%add3A_37, %dma_start3A] : memref<10000x80xf32, #tpu.memory_space<vmem_shared>> -> memref<104x80xf32, #tpu.memory_space<vmem_shared>>
        %dma_start3A_40 = arith.constant 0 : i32
        %dma_start3A_41 = tpu.memref_slice %arg8[%add3A_37, %dma_start3A_40] : memref<10000x80xf32, #tpu.memory_space<vmem_shared>> -> memref<104x80xf32, #tpu.memory_space<vmem_shared>>
        tpu.enqueue_dma source(%arg7 : memref<104x80xf32, #tpu.memory_space<vmem>>) target(%dma_start3A_41 : memref<104x80xf32, #tpu.memory_space<vmem_shared>>) target_semaphore(%run_scoped3A : memref<!tpu.dma_semaphore, #tpu.memory_space<semaphore_mem>>)
        %dma_wait3A = arith.constant 0 : i32
        %dma_wait3A_42 = tpu.memref_slice %arg8[%add3A_37, %dma_wait3A] : memref<10000x80xf32, #tpu.memory_space<vmem_shared>> -> memref<104x80xf32, #tpu.memory_space<vmem_shared>>
        %dma_wait3A_43 = arith.constant 0 : i32
        %dma_wait3A_44 = tpu.memref_slice %arg8[%add3A_37, %dma_wait3A_43] : memref<10000x80xf32, #tpu.memory_space<vmem_shared>> -> memref<104x80xf32, #tpu.memory_space<vmem_shared>>
        tpu.wait_dma2 semaphore(%run_scoped3A : memref<!tpu.dma_semaphore, #tpu.memory_space<semaphore_mem>>) src(%arg7 : memref<104x80xf32, #tpu.memory_space<vmem>>) dst(%dma_wait3A_44 : memref<104x80xf32, #tpu.memory_space<vmem_shared>>)
        tpu.yield
      }) : () -> ()
      %scan3A_38 = arith.constant 0 : i32
      scf.yield %scan3A_38 : i32
    }
    %scan3A_12 = arith.constant 6 : i32
    %eq3A = arith.constant 15 : i32
    %eq3A_13 = arith.cmpi eq, %arg1, %eq3A : i32
    %convert_element_type3A = arith.extui %eq3A_13 : i1 to i32
    %cond3A = arith.constant 0 : i32
    %cond3A_14 = arith.cmpi ne, %convert_element_type3A, %cond3A : i32
    scf.if %cond3A_14 {
      "tpu.region"() ({
        %run_scoped3A = tpu.sem_alloc : memref<!tpu.dma_semaphore, #tpu.memory_space<semaphore_mem>>
        %dma_start3A = arith.constant 0 : i32
        %dma_start3A_31 = arith.constant 0 : i32
        %dma_start3A_32 = tpu.memref_slice %arg7[%dma_start3A, %dma_start3A_31] : memref<104x80xf32, #tpu.memory_space<vmem>> -> memref<16x80xf32, #tpu.memory_space<vmem>>
        %dma_start3A_33 = arith.constant 9984 : i32
        %dma_start3A_34 = arith.constant 0 : i32
        %dma_start3A_35 = tpu.memref_slice %arg8[%dma_start3A_33, %dma_start3A_34] : memref<10000x80xf32, #tpu.memory_space<vmem_shared>> -> memref<16x80xf32, #tpu.memory_space<vmem_shared>>
        %dma_start3A_36 = arith.constant 9984 : i32
        %dma_start3A_37 = arith.constant 0 : i32
        %dma_start3A_38 = tpu.memref_slice %arg8[%dma_start3A_36, %dma_start3A_37] : memref<10000x80xf32, #tpu.memory_space<vmem_shared>> -> memref<16x80xf32, #tpu.memory_space<vmem_shared>>
        %dma_start3A_39 = arith.constant 0 : i32
        %dma_start3A_40 = arith.constant 0 : i32
        %dma_start3A_41 = tpu.memref_slice %arg7[%dma_start3A_39, %dma_start3A_40] : memref<104x80xf32, #tpu.memory_space<vmem>> -> memref<16x80xf32, #tpu.memory_space<vmem>>
        tpu.enqueue_dma source(%dma_start3A_41 : memref<16x80xf32, #tpu.memory_space<vmem>>) target(%dma_start3A_38 : memref<16x80xf32, #tpu.memory_space<vmem_shared>>) target_semaphore(%run_scoped3A : memref<!tpu.dma_semaphore, #tpu.memory_space<semaphore_mem>>)
        %dma_wait3A = arith.constant 0 : i32
        %dma_wait3A_42 = arith.constant 0 : i32
        %dma_wait3A_43 = tpu.memref_slice %arg7[%dma_wait3A, %dma_wait3A_42] : memref<104x80xf32, #tpu.memory_space<vmem>> -> memref<16x80xf32, #tpu.memory_space<vmem>>
        %dma_wait3A_44 = arith.constant 9984 : i32
        %dma_wait3A_45 = arith.constant 0 : i32
        %dma_wait3A_46 = tpu.memref_slice %arg8[%dma_wait3A_44, %dma_wait3A_45] : memref<10000x80xf32, #tpu.memory_space<vmem_shared>> -> memref<16x80xf32, #tpu.memory_space<vmem_shared>>
        %dma_wait3A_47 = arith.constant 9984 : i32
        %dma_wait3A_48 = arith.constant 0 : i32
        %dma_wait3A_49 = tpu.memref_slice %arg8[%dma_wait3A_47, %dma_wait3A_48] : memref<10000x80xf32, #tpu.memory_space<vmem_shared>> -> memref<16x80xf32, #tpu.memory_space<vmem_shared>>
        %dma_wait3A_50 = arith.constant 0 : i32
        %dma_wait3A_51 = arith.constant 0 : i32
        %dma_wait3A_52 = tpu.memref_slice %arg7[%dma_wait3A_50, %dma_wait3A_51] : memref<104x80xf32, #tpu.memory_space<vmem>> -> memref<16x80xf32, #tpu.memory_space<vmem>>
        tpu.wait_dma2 semaphore(%run_scoped3A : memref<!tpu.dma_semaphore, #tpu.memory_space<semaphore_mem>>) src(%dma_wait3A_52 : memref<16x80xf32, #tpu.memory_space<vmem>>) dst(%dma_wait3A_49 : memref<16x80xf32, #tpu.memory_space<vmem_shared>>)
        tpu.yield
      }) : () -> ()
    } else {
    }
    %barrier3A = arith.constant 0 : index
    tpu.barrier barrier_id(%barrier3A)
    %mul3A = arith.constant 16 : i32
    %mul3A_15 = arith.muli %arg0, %mul3A : i32
    %add3A = arith.addi %mul3A_15, %arg1 : i32
    %mul3A_16 = arith.constant 10000 : i32
    %mul3A_17 = arith.muli %add3A, %mul3A_16 : i32
    %scan3A_18 = arith.constant 0 : i32
    %scan3A_19 = arith.constant 125 : i32
    %scan3A_20 = arith.addi %scan3A_18, %scan3A_19 : i32
    %scan3A_21 = arith.constant 1 : i32
    scf.for %scan3A_31 = %scan3A_18 to %scan3A_20 step %scan3A_21  : i32 {
      %mul3A_32 = arith.constant 1 : i32
      %mul3A_33 = arith.muli %scan3A_31, %mul3A_32 : i32
      %add3A_34 = arith.constant 0 : i32
      %add3A_35 = arith.addi %add3A_34, %mul3A_33 : i32
      %mul3A_36 = arith.constant 80 : i32
      %mul3A_37 = arith.muli %add3A_35, %mul3A_36 : i32
      %add3A_38 = arith.addi %mul3A_17, %mul3A_37 : i32
      "tpu.region"() ({
        %run_scoped3A = tpu.sem_alloc : memref<!tpu.dma_semaphore, #tpu.memory_space<semaphore_mem>>
        %dma_start3A = tpu.memref_slice %arg3[%add3A_38] : memref<320000xi32, #tpu.memory_space<hbm>> -> memref<80xi32, #tpu.memory_space<hbm>>
        %dma_start3A_39 = tpu.memref_slice %arg3[%add3A_38] : memref<320000xi32, #tpu.memory_space<hbm>> -> memref<80xi32, #tpu.memory_space<hbm>>
        tpu.enqueue_dma source(%dma_start3A_39 : memref<80xi32, #tpu.memory_space<hbm>>) target(%arg5 : memref<80xi32, #tpu.memory_space<vmem>>) target_semaphore(%run_scoped3A : memref<!tpu.dma_semaphore, #tpu.memory_space<semaphore_mem>>)
        %dma_wait3A = tpu.memref_slice %arg3[%add3A_38] : memref<320000xi32, #tpu.memory_space<hbm>> -> memref<80xi32, #tpu.memory_space<hbm>>
        %dma_wait3A_40 = tpu.memref_slice %arg3[%add3A_38] : memref<320000xi32, #tpu.memory_space<hbm>> -> memref<80xi32, #tpu.memory_space<hbm>>
        tpu.wait_dma2 semaphore(%run_scoped3A : memref<!tpu.dma_semaphore, #tpu.memory_space<semaphore_mem>>) src(%dma_wait3A_40 : memref<80xi32, #tpu.memory_space<hbm>>) dst(%arg5 : memref<80xi32, #tpu.memory_space<vmem>>)
        tpu.yield
      }) : () -> ()
      "tpu.region"() ({
        %run_scoped3A = tpu.sem_alloc : memref<!tpu.dma_semaphore, #tpu.memory_space<semaphore_mem>>
        %dma_start3A = arith.constant 0 : i32
        %dma_start3A_39 = tpu.memref_slice %arg2[%add3A_38, %dma_start3A] : memref<320000x80xf32, #tpu.memory_space<hbm>> -> memref<80x80xf32, #tpu.memory_space<hbm>>
        %dma_start3A_40 = arith.constant 0 : i32
        %dma_start3A_41 = tpu.memref_slice %arg2[%add3A_38, %dma_start3A_40] : memref<320000x80xf32, #tpu.memory_space<hbm>> -> memref<80x80xf32, #tpu.memory_space<hbm>>
        tpu.enqueue_dma source(%dma_start3A_41 : memref<80x80xf32, #tpu.memory_space<hbm>>) target(%arg6 : memref<80x80xf32, #tpu.memory_space<vmem>>) target_semaphore(%run_scoped3A : memref<!tpu.dma_semaphore, #tpu.memory_space<semaphore_mem>>)
        %dma_wait3A = arith.constant 0 : i32
        %dma_wait3A_42 = tpu.memref_slice %arg2[%add3A_38, %dma_wait3A] : memref<320000x80xf32, #tpu.memory_space<hbm>> -> memref<80x80xf32, #tpu.memory_space<hbm>>
        %dma_wait3A_43 = arith.constant 0 : i32
        %dma_wait3A_44 = tpu.memref_slice %arg2[%add3A_38, %dma_wait3A_43] : memref<320000x80xf32, #tpu.memory_space<hbm>> -> memref<80x80xf32, #tpu.memory_space<hbm>>
        tpu.wait_dma2 semaphore(%run_scoped3A : memref<!tpu.dma_semaphore, #tpu.memory_space<semaphore_mem>>) src(%dma_wait3A_44 : memref<80x80xf32, #tpu.memory_space<hbm>>) dst(%arg6 : memref<80x80xf32, #tpu.memory_space<vmem>>)
        tpu.yield
      }) : () -> ()
      "tpu.region"() ({
        %run_scoped3A = tpu.sem_alloc : memref<!tpu.dma_semaphore, #tpu.memory_space<semaphore_mem>>
        %dma_start3A = arith.constant 0 : i32
        %dma_start3A_39 = arith.constant 0 : i32
        %dma_start3A_40 = tpu.memref_slice %arg8[%dma_start3A, %dma_start3A_39] : memref<10000x80xf32, #tpu.memory_space<vmem_shared>> -> memref<10000x80xf32, #tpu.memory_space<vmem_shared>>
        tpu.enqueue_indirect_dma source(%arg6 : memref<80x80xf32, #tpu.memory_space<vmem>>) target(%dma_start3A_40 : memref<10000x80xf32, #tpu.memory_space<vmem_shared>>) offsets(%arg5 : memref<80xi32, #tpu.memory_space<vmem>>) semaphore(%run_scoped3A : memref<!tpu.dma_semaphore, #tpu.memory_space<semaphore_mem>>) {add = true}
        %dma_wait3A = arith.constant 0 : i32
        %dma_wait3A_41 = arith.constant 0 : i32
        %dma_wait3A_42 = tpu.memref_slice %arg8[%dma_wait3A, %dma_wait3A_41] : memref<10000x80xf32, #tpu.memory_space<vmem_shared>> -> memref<10000x80xf32, #tpu.memory_space<vmem_shared>>
        tpu.wait_indirect_dma semaphore(%run_scoped3A : memref<!tpu.dma_semaphore, #tpu.memory_space<semaphore_mem>>) src(%arg6 : memref<80x80xf32, #tpu.memory_space<vmem>>) dst(%dma_wait3A_42 : memref<10000x80xf32, #tpu.memory_space<vmem_shared>>)
        tpu.yield
      }) : () -> ()
    }
    %scan3A_22 = arith.constant 125 : i32
    %barrier3A_23 = arith.constant 0 : index
    tpu.barrier barrier_id(%barrier3A_23)
    %mul3A_24 = arith.constant 624 : i32
    %mul3A_25 = arith.muli %arg1, %mul3A_24 : i32
    "tpu.region"() ({
      %run_scoped3A = tpu.sem_alloc : memref<!tpu.dma_semaphore, #tpu.memory_space<semaphore_mem>>
      %dma_start3A = arith.constant 0 : i32
      %dma_start3A_31 = tpu.memref_slice %arg4[%arg0, %mul3A_25, %dma_start3A] : memref<2x10000x80xf32, #tpu.memory_space<hbm>> -> memref<1x624x80xf32, #tpu.memory_space<hbm>>
      %dma_start3A_32 = tpu.memref_squeeze %dma_start3A_31 : memref<1x624x80xf32, #tpu.memory_space<hbm>> -> memref<624x80xf32, #tpu.memory_space<hbm>>
      %dma_start3A_33 = arith.constant 0 : i32
      %dma_start3A_34 = tpu.memref_slice %arg8[%mul3A_25, %dma_start3A_33] : memref<10000x80xf32, #tpu.memory_space<vmem_shared>> -> memref<624x80xf32, #tpu.memory_space<vmem_shared>>
      tpu.enqueue_dma source(%dma_start3A_34 : memref<624x80xf32, #tpu.memory_space<vmem_shared>>) target(%dma_start3A_32 : memref<624x80xf32, #tpu.memory_space<hbm>>) target_semaphore(%run_scoped3A : memref<!tpu.dma_semaphore, #tpu.memory_space<semaphore_mem>>)
      %dma_wait3A = arith.constant 0 : i32
      %dma_wait3A_35 = tpu.memref_slice %arg4[%arg0, %mul3A_25, %dma_wait3A] : memref<2x10000x80xf32, #tpu.memory_space<hbm>> -> memref<1x624x80xf32, #tpu.memory_space<hbm>>
      %dma_wait3A_36 = tpu.memref_squeeze %dma_wait3A_35 : memref<1x624x80xf32, #tpu.memory_space<hbm>> -> memref<624x80xf32, #tpu.memory_space<hbm>>
      %dma_wait3A_37 = arith.constant 0 : i32
      %dma_wait3A_38 = tpu.memref_slice %arg8[%mul3A_25, %dma_wait3A_37] : memref<10000x80xf32, #tpu.memory_space<vmem_shared>> -> memref<624x80xf32, #tpu.memory_space<vmem_shared>>
      tpu.wait_dma2 semaphore(%run_scoped3A : memref<!tpu.dma_semaphore, #tpu.memory_space<semaphore_mem>>) src(%dma_wait3A_38 : memref<624x80xf32, #tpu.memory_space<vmem_shared>>) dst(%dma_wait3A_36 : memref<624x80xf32, #tpu.memory_space<hbm>>)
      tpu.yield
    }) : () -> ()
    %eq3A_26 = arith.constant 15 : i32
    %eq3A_27 = arith.cmpi eq, %arg1, %eq3A_26 : i32
    %convert_element_type3A_28 = arith.extui %eq3A_27 : i1 to i32
    %cond3A_29 = arith.constant 0 : i32
    %cond3A_30 = arith.cmpi ne, %convert_element_type3A_28, %cond3A_29 : i32
    scf.if %cond3A_30 {
      "tpu.region"() ({
        %run_scoped3A = tpu.sem_alloc : memref<!tpu.dma_semaphore, #tpu.memory_space<semaphore_mem>>
        %dma_start3A = arith.constant 9984 : i32
        %dma_start3A_31 = arith.constant 0 : i32
        %dma_start3A_32 = tpu.memref_slice %arg4[%arg0, %dma_start3A, %dma_start3A_31] : memref<2x10000x80xf32, #tpu.memory_space<hbm>> -> memref<1x16x80xf32, #tpu.memory_space<hbm>>
        %dma_start3A_33 = tpu.memref_squeeze %dma_start3A_32 : memref<1x16x80xf32, #tpu.memory_space<hbm>> -> memref<16x80xf32, #tpu.memory_space<hbm>>
        %dma_start3A_34 = arith.constant 9984 : i32
        %dma_start3A_35 = arith.constant 0 : i32
        %dma_start3A_36 = tpu.memref_slice %arg8[%dma_start3A_34, %dma_start3A_35] : memref<10000x80xf32, #tpu.memory_space<vmem_shared>> -> memref<16x80xf32, #tpu.memory_space<vmem_shared>>
        tpu.enqueue_dma source(%dma_start3A_36 : memref<16x80xf32, #tpu.memory_space<vmem_shared>>) target(%dma_start3A_33 : memref<16x80xf32, #tpu.memory_space<hbm>>) target_semaphore(%run_scoped3A : memref<!tpu.dma_semaphore, #tpu.memory_space<semaphore_mem>>)
        %dma_wait3A = arith.constant 9984 : i32
        %dma_wait3A_37 = arith.constant 0 : i32
        %dma_wait3A_38 = tpu.memref_slice %arg4[%arg0, %dma_wait3A, %dma_wait3A_37] : memref<2x10000x80xf32, #tpu.memory_space<hbm>> -> memref<1x16x80xf32, #tpu.memory_space<hbm>>
        %dma_wait3A_39 = tpu.memref_squeeze %dma_wait3A_38 : memref<1x16x80xf32, #tpu.memory_space<hbm>> -> memref<16x80xf32, #tpu.memory_space<hbm>>
        %dma_wait3A_40 = arith.constant 9984 : i32
        %dma_wait3A_41 = arith.constant 0 : i32
        %dma_wait3A_42 = tpu.memref_slice %arg8[%dma_wait3A_40, %dma_wait3A_41] : memref<10000x80xf32, #tpu.memory_space<vmem_shared>> -> memref<16x80xf32, #tpu.memory_space<vmem_shared>>
        tpu.wait_dma2 semaphore(%run_scoped3A : memref<!tpu.dma_semaphore, #tpu.memory_space<semaphore_mem>>) src(%dma_wait3A_42 : memref<16x80xf32, #tpu.memory_space<vmem_shared>>) dst(%dma_wait3A_39 : memref<16x80xf32, #tpu.memory_space<hbm>>)
        tpu.yield
      }) : () -> ()
    } else {
    }
    return
  }
}

#map = affine_map<(d0, d1) -> (0, 0)>
#map1 = affine_map<(d0, d1) -> (0)>
#map2 = affine_map<(d0, d1) -> (0, 0, 0)>
module attributes {stable_mosaic.version = 14 : i64} {
  func.func @sc_edge_acc(%arg0: i32, %arg1: i32, %arg2: memref<320000x80xf32, #tpu.memory_space<hbm>>, %arg3: memref<320000xi32, #tpu.memory_space<hbm>>, %arg4: memref<2x10000x80xf32, #tpu.memory_space<hbm>>, %arg5: memref<80xi32, #tpu.memory_space<vmem>>, %arg6: memref<80x80xf32, #tpu.memory_space<vmem>>, %arg7: memref<104x80xf32, #tpu.memory_space<vmem>>, %arg8: memref<10000x80xf32, #tpu.memory_space<vmem_shared>>) attributes {dimension_semantics = [#tpu.dimension_semantics<core_parallel>, #tpu.dimension_semantics<subcore_parallel>], iteration_bounds = array<i64: 2, 16>, scalar_prefetch = 0 : i64, scratch_operands = 4 : i64, tpu.core_type = #tpu.core_type<sc_vector_subcore>, window_params = [{transform_indices = #map}, {transform_indices = #map1}, {transform_indices = #map2}]} {
    %scan3A = arith.constant 0 : i32
    %scan3A_0 = arith.constant 0 : i32
    %scan3A_1 = arith.constant 104 : i32
    %scan3A_2 = arith.addi %scan3A_0, %scan3A_1 : i32
    %scan3A_3 = arith.constant 1 : i32
    %scan3A_4 = scf.for %scan3A_31 = %scan3A_0 to %scan3A_2 step %scan3A_3 iter_args(%scan3A_32 = %scan3A) -> (i32)  : i32 {
      %broadcast_in_dim3A = arith.constant 0.000000e+00 : f32
      %broadcast_in_dim3A_33 = vector.broadcast %broadcast_in_dim3A : f32 to vector<16xf32>
      %swap3A = arith.index_cast %scan3A_31 : i32 to index
      %swap3A_34 = arith.constant 0 : index
      %swap3A_35 = tpu.vector_load %arg7[%swap3A, %swap3A_34] {strides = array<i32>} : memref<104x80xf32, #tpu.memory_space<vmem>>, vector<1x16xf32>,
      %swap3A_36 = vector.shape_cast %swap3A_35 : vector<1x16xf32> to vector<16xf32>
      %swap3A_37 = vector.shape_cast %broadcast_in_dim3A_33 : vector<16xf32> to vector<1x16xf32>
      tpu.vector_store %arg7[%swap3A, %swap3A_34], %swap3A_37 {strides = array<i32>} : memref<104x80xf32, #tpu.memory_space<vmem>>, vector<1x16xf32>,
      %broadcast_in_dim3A_38 = arith.constant 0.000000e+00 : f32
      %broadcast_in_dim3A_39 = vector.broadcast %broadcast_in_dim3A_38 : f32 to vector<16xf32>
      %swap3A_40 = arith.index_cast %scan3A_31 : i32 to index
      %swap3A_41 = arith.constant 16 : index
      %swap3A_42 = tpu.vector_load %arg7[%swap3A_40, %swap3A_41] {strides = array<i32>} : memref<104x80xf32, #tpu.memory_space<vmem>>, vector<1x16xf32>,
      %swap3A_43 = vector.shape_cast %swap3A_42 : vector<1x16xf32> to vector<16xf32>
      %swap3A_44 = vector.shape_cast %broadcast_in_dim3A_39 : vector<16xf32> to vector<1x16xf32>
      tpu.vector_store %arg7[%swap3A_40, %swap3A_41], %swap3A_44 {strides = array<i32>} : memref<104x80xf32, #tpu.memory_space<vmem>>, vector<1x16xf32>,
      %broadcast_in_dim3A_45 = arith.constant 0.000000e+00 : f32
      %broadcast_in_dim3A_46 = vector.broadcast %broadcast_in_dim3A_45 : f32 to vector<16xf32>
      %swap3A_47 = arith.index_cast %scan3A_31 : i32 to index
      %swap3A_48 = arith.constant 32 : index
      %swap3A_49 = tpu.vector_load %arg7[%swap3A_47, %swap3A_48] {strides = array<i32>} : memref<104x80xf32, #tpu.memory_space<vmem>>, vector<1x16xf32>,
      %swap3A_50 = vector.shape_cast %swap3A_49 : vector<1x16xf32> to vector<16xf32>
      %swap3A_51 = vector.shape_cast %broadcast_in_dim3A_46 : vector<16xf32> to vector<1x16xf32>
      tpu.vector_store %arg7[%swap3A_47, %swap3A_48], %swap3A_51 {strides = array<i32>} : memref<104x80xf32, #tpu.memory_space<vmem>>, vector<1x16xf32>,
      %broadcast_in_dim3A_52 = arith.constant 0.000000e+00 : f32
      %broadcast_in_dim3A_53 = vector.broadcast %broadcast_in_dim3A_52 : f32 to vector<16xf32>
      %swap3A_54 = arith.index_cast %scan3A_31 : i32 to index
      %swap3A_55 = arith.constant 48 : index
      %swap3A_56 = tpu.vector_load %arg7[%swap3A_54, %swap3A_55] {strides = array<i32>} : memref<104x80xf32, #tpu.memory_space<vmem>>, vector<1x16xf32>,
      %swap3A_57 = vector.shape_cast %swap3A_56 : vector<1x16xf32> to vector<16xf32>
      %swap3A_58 = vector.shape_cast %broadcast_in_dim3A_53 : vector<16xf32> to vector<1x16xf32>
      tpu.vector_store %arg7[%swap3A_54, %swap3A_55], %swap3A_58 {strides = array<i32>} : memref<104x80xf32, #tpu.memory_space<vmem>>, vector<1x16xf32>,
      %broadcast_in_dim3A_59 = arith.constant 0.000000e+00 : f32
      %broadcast_in_dim3A_60 = vector.broadcast %broadcast_in_dim3A_59 : f32 to vector<16xf32>
      %swap3A_61 = arith.index_cast %scan3A_31 : i32 to index
      %swap3A_62 = arith.constant 64 : index
      %swap3A_63 = tpu.vector_load %arg7[%swap3A_61, %swap3A_62] {strides = array<i32>} : memref<104x80xf32, #tpu.memory_space<vmem>>, vector<1x16xf32>,
      %swap3A_64 = vector.shape_cast %swap3A_63 : vector<1x16xf32> to vector<16xf32>
      %swap3A_65 = vector.shape_cast %broadcast_in_dim3A_60 : vector<16xf32> to vector<1x16xf32>
      tpu.vector_store %arg7[%swap3A_61, %swap3A_62], %swap3A_65 {strides = array<i32>} : memref<104x80xf32, #tpu.memory_space<vmem>>, vector<1x16xf32>,
      %scan3A_66 = arith.constant 0 : i32
      scf.yield %scan3A_66 : i32
    }
    %scan3A_5 = arith.constant 104 : i32
    %scan3A_6 = arith.constant 0 : i32
    %scan3A_7 = arith.constant 0 : i32
    %scan3A_8 = arith.constant 6 : i32
    %scan3A_9 = arith.addi %scan3A_7, %scan3A_8 : i32
    %scan3A_10 = arith.constant 1 : i32
    %scan3A_11 = scf.for %scan3A_31 = %scan3A_7 to %scan3A_9 step %scan3A_10 iter_args(%scan3A_32 = %scan3A_6) -> (i32)  : i32 {
      %mul3A_33 = arith.constant 624 : i32
      %mul3A_34 = arith.muli %arg1, %mul3A_33 : i32
      %mul3A_35 = arith.constant 104 : i32
      %mul3A_36 = arith.muli %scan3A_31, %mul3A_35 : i32
      %add3A_37 = arith.addi %mul3A_34, %mul3A_36 : i32
      "tpu.region"() ({
        %run_scoped3A = tpu.sem_alloc : memref<!tpu.dma_semaphore, #tpu.memory_space<semaphore_mem>>
        %dma_start3A = arith.constant 0 : i32
        %dma_start3A_39 = tpu.memref_slice %arg8[%add3A_37, %dma_start3A] : memref<10000x80xf32, #tpu.memory_space<vmem_shared>> -> memref<104x80xf32, #tpu.memory_space<vmem_shared>>
        %dma_start3A_40 = arith.constant 0 : i32
        %dma_start3A_41 = tpu.memref_slice %arg8[%add3A_37, %dma_start3A_40] : memref<10000x80xf32, #tpu.memory_space<vmem_shared>> -> memref<104x80xf32, #tpu.memory_space<vmem_shared>>
        tpu.enqueue_dma source(%arg7 : memref<104x80xf32, #tpu.memory_space<vmem>>) target(%dma_start3A_41 : memref<104x80xf32, #tpu.memory_space<vmem_shared>>) target_semaphore(%run_scoped3A : memref<!tpu.dma_semaphore, #tpu.memory_space<semaphore_mem>>)
        %dma_wait3A = arith.constant 0 : i32
        %dma_wait3A_42 = tpu.memref_slice %arg8[%add3A_37, %dma_wait3A] : memref<10000x80xf32, #tpu.memory_space<vmem_shared>> -> memref<104x80xf32, #tpu.memory_space<vmem_shared>>
        %dma_wait3A_43 = arith.constant 0 : i32
        %dma_wait3A_44 = tpu.memref_slice %arg8[%add3A_37, %dma_wait3A_43] : memref<10000x80xf32, #tpu.memory_space<vmem_shared>> -> memref<104x80xf32, #tpu.memory_space<vmem_shared>>
        tpu.wait_dma2 semaphore(%run_scoped3A : memref<!tpu.dma_semaphore, #tpu.memory_space<semaphore_mem>>) src(%arg7 : memref<104x80xf32, #tpu.memory_space<vmem>>) dst(%dma_wait3A_44 : memref<104x80xf32, #tpu.memory_space<vmem_shared>>)
        tpu.yield
      }) : () -> ()
      %scan3A_38 = arith.constant 0 : i32
      scf.yield %scan3A_38 : i32
    }
    %scan3A_12 = arith.constant 6 : i32
    %eq3A = arith.constant 15 : i32
    %eq3A_13 = arith.cmpi eq, %arg1, %eq3A : i32
    %convert_element_type3A = arith.extui %eq3A_13 : i1 to i32
    %cond3A = arith.constant 0 : i32
    %cond3A_14 = arith.cmpi ne, %convert_element_type3A, %cond3A : i32
    scf.if %cond3A_14 {
      "tpu.region"() ({
        %run_scoped3A = tpu.sem_alloc : memref<!tpu.dma_semaphore, #tpu.memory_space<semaphore_mem>>
        %dma_start3A = arith.constant 0 : i32
        %dma_start3A_31 = arith.constant 0 : i32
        %dma_start3A_32 = tpu.memref_slice %arg7[%dma_start3A, %dma_start3A_31] : memref<104x80xf32, #tpu.memory_space<vmem>> -> memref<16x80xf32, #tpu.memory_space<vmem>>
        %dma_start3A_33 = arith.constant 9984 : i32
        %dma_start3A_34 = arith.constant 0 : i32
        %dma_start3A_35 = tpu.memref_slice %arg8[%dma_start3A_33, %dma_start3A_34] : memref<10000x80xf32, #tpu.memory_space<vmem_shared>> -> memref<16x80xf32, #tpu.memory_space<vmem_shared>>
        %dma_start3A_36 = arith.constant 9984 : i32
        %dma_start3A_37 = arith.constant 0 : i32
        %dma_start3A_38 = tpu.memref_slice %arg8[%dma_start3A_36, %dma_start3A_37] : memref<10000x80xf32, #tpu.memory_space<vmem_shared>> -> memref<16x80xf32, #tpu.memory_space<vmem_shared>>
        %dma_start3A_39 = arith.constant 0 : i32
        %dma_start3A_40 = arith.constant 0 : i32
        %dma_start3A_41 = tpu.memref_slice %arg7[%dma_start3A_39, %dma_start3A_40] : memref<104x80xf32, #tpu.memory_space<vmem>> -> memref<16x80xf32, #tpu.memory_space<vmem>>
        tpu.enqueue_dma source(%dma_start3A_41 : memref<16x80xf32, #tpu.memory_space<vmem>>) target(%dma_start3A_38 : memref<16x80xf32, #tpu.memory_space<vmem_shared>>) target_semaphore(%run_scoped3A : memref<!tpu.dma_semaphore, #tpu.memory_space<semaphore_mem>>)
        %dma_wait3A = arith.constant 0 : i32
        %dma_wait3A_42 = arith.constant 0 : i32
        %dma_wait3A_43 = tpu.memref_slice %arg7[%dma_wait3A, %dma_wait3A_42] : memref<104x80xf32, #tpu.memory_space<vmem>> -> memref<16x80xf32, #tpu.memory_space<vmem>>
        %dma_wait3A_44 = arith.constant 9984 : i32
        %dma_wait3A_45 = arith.constant 0 : i32
        %dma_wait3A_46 = tpu.memref_slice %arg8[%dma_wait3A_44, %dma_wait3A_45] : memref<10000x80xf32, #tpu.memory_space<vmem_shared>> -> memref<16x80xf32, #tpu.memory_space<vmem_shared>>
        %dma_wait3A_47 = arith.constant 9984 : i32
        %dma_wait3A_48 = arith.constant 0 : i32
        %dma_wait3A_49 = tpu.memref_slice %arg8[%dma_wait3A_47, %dma_wait3A_48] : memref<10000x80xf32, #tpu.memory_space<vmem_shared>> -> memref<16x80xf32, #tpu.memory_space<vmem_shared>>
        %dma_wait3A_50 = arith.constant 0 : i32
        %dma_wait3A_51 = arith.constant 0 : i32
        %dma_wait3A_52 = tpu.memref_slice %arg7[%dma_wait3A_50, %dma_wait3A_51] : memref<104x80xf32, #tpu.memory_space<vmem>> -> memref<16x80xf32, #tpu.memory_space<vmem>>
        tpu.wait_dma2 semaphore(%run_scoped3A : memref<!tpu.dma_semaphore, #tpu.memory_space<semaphore_mem>>) src(%dma_wait3A_52 : memref<16x80xf32, #tpu.memory_space<vmem>>) dst(%dma_wait3A_49 : memref<16x80xf32, #tpu.memory_space<vmem_shared>>)
        tpu.yield
      }) : () -> ()
    } else {
    }
    %barrier3A = arith.constant 0 : index
    tpu.barrier barrier_id(%barrier3A)
    %mul3A = arith.constant 16 : i32
    %mul3A_15 = arith.muli %arg0, %mul3A : i32
    %add3A = arith.addi %mul3A_15, %arg1 : i32
    %mul3A_16 = arith.constant 10000 : i32
    %mul3A_17 = arith.muli %add3A, %mul3A_16 : i32
    %scan3A_18 = arith.constant 0 : i32
    %scan3A_19 = arith.constant 125 : i32
    %scan3A_20 = arith.addi %scan3A_18, %scan3A_19 : i32
    %scan3A_21 = arith.constant 1 : i32
    scf.for %scan3A_31 = %scan3A_18 to %scan3A_20 step %scan3A_21  : i32 {
      %mul3A_32 = arith.constant 1 : i32
      %mul3A_33 = arith.muli %scan3A_31, %mul3A_32 : i32
      %add3A_34 = arith.constant 0 : i32
      %add3A_35 = arith.addi %add3A_34, %mul3A_33 : i32
      %mul3A_36 = arith.constant 80 : i32
      %mul3A_37 = arith.muli %add3A_35, %mul3A_36 : i32
      %add3A_38 = arith.addi %mul3A_17, %mul3A_37 : i32
      "tpu.region"() ({
        %run_scoped3A = tpu.sem_alloc : memref<!tpu.dma_semaphore, #tpu.memory_space<semaphore_mem>>
        %dma_start3A = tpu.memref_slice %arg3[%add3A_38] : memref<320000xi32, #tpu.memory_space<hbm>> -> memref<80xi32, #tpu.memory_space<hbm>>
        %dma_start3A_39 = tpu.memref_slice %arg3[%add3A_38] : memref<320000xi32, #tpu.memory_space<hbm>> -> memref<80xi32, #tpu.memory_space<hbm>>
        tpu.enqueue_dma source(%dma_start3A_39 : memref<80xi32, #tpu.memory_space<hbm>>) target(%arg5 : memref<80xi32, #tpu.memory_space<vmem>>) target_semaphore(%run_scoped3A : memref<!tpu.dma_semaphore, #tpu.memory_space<semaphore_mem>>)
        %dma_wait3A = tpu.memref_slice %arg3[%add3A_38] : memref<320000xi32, #tpu.memory_space<hbm>> -> memref<80xi32, #tpu.memory_space<hbm>>
        %dma_wait3A_40 = tpu.memref_slice %arg3[%add3A_38] : memref<320000xi32, #tpu.memory_space<hbm>> -> memref<80xi32, #tpu.memory_space<hbm>>
        tpu.wait_dma2 semaphore(%run_scoped3A : memref<!tpu.dma_semaphore, #tpu.memory_space<semaphore_mem>>) src(%dma_wait3A_40 : memref<80xi32, #tpu.memory_space<hbm>>) dst(%arg5 : memref<80xi32, #tpu.memory_space<vmem>>)
        tpu.yield
      }) : () -> ()
      "tpu.region"() ({
        %run_scoped3A = tpu.sem_alloc : memref<!tpu.dma_semaphore, #tpu.memory_space<semaphore_mem>>
        %dma_start3A = arith.constant 0 : i32
        %dma_start3A_39 = tpu.memref_slice %arg2[%add3A_38, %dma_start3A] : memref<320000x80xf32, #tpu.memory_space<hbm>> -> memref<80x80xf32, #tpu.memory_space<hbm>>
        %dma_start3A_40 = arith.constant 0 : i32
        %dma_start3A_41 = tpu.memref_slice %arg2[%add3A_38, %dma_start3A_40] : memref<320000x80xf32, #tpu.memory_space<hbm>> -> memref<80x80xf32, #tpu.memory_space<hbm>>
        tpu.enqueue_dma source(%dma_start3A_41 : memref<80x80xf32, #tpu.memory_space<hbm>>) target(%arg6 : memref<80x80xf32, #tpu.memory_space<vmem>>) target_semaphore(%run_scoped3A : memref<!tpu.dma_semaphore, #tpu.memory_space<semaphore_mem>>)
        %dma_wait3A = arith.constant 0 : i32
        %dma_wait3A_42 = tpu.memref_slice %arg2[%add3A_38, %dma_wait3A] : memref<320000x80xf32, #tpu.memory_space<hbm>> -> memref<80x80xf32, #tpu.memory_space<hbm>>
        %dma_wait3A_43 = arith.constant 0 : i32
        %dma_wait3A_44 = tpu.memref_slice %arg2[%add3A_38, %dma_wait3A_43] : memref<320000x80xf32, #tpu.memory_space<hbm>> -> memref<80x80xf32, #tpu.memory_space<hbm>>
        tpu.wait_dma2 semaphore(%run_scoped3A : memref<!tpu.dma_semaphore, #tpu.memory_space<semaphore_mem>>) src(%dma_wait3A_44 : memref<80x80xf32, #tpu.memory_space<hbm>>) dst(%arg6 : memref<80x80xf32, #tpu.memory_space<vmem>>)
        tpu.yield
      }) : () -> ()
      "tpu.region"() ({
        %run_scoped3A = tpu.sem_alloc : memref<!tpu.dma_semaphore, #tpu.memory_space<semaphore_mem>>
        %dma_start3A = arith.constant 0 : i32
        %dma_start3A_39 = arith.constant 0 : i32
        %dma_start3A_40 = tpu.memref_slice %arg8[%dma_start3A, %dma_start3A_39] : memref<10000x80xf32, #tpu.memory_space<vmem_shared>> -> memref<10000x80xf32, #tpu.memory_space<vmem_shared>>
        tpu.enqueue_indirect_dma source(%arg6 : memref<80x80xf32, #tpu.memory_space<vmem>>) target(%dma_start3A_40 : memref<10000x80xf32, #tpu.memory_space<vmem_shared>>) offsets(%arg5 : memref<80xi32, #tpu.memory_space<vmem>>) semaphore(%run_scoped3A : memref<!tpu.dma_semaphore, #tpu.memory_space<semaphore_mem>>) {add = true}
        %dma_wait3A = arith.constant 0 : i32
        %dma_wait3A_41 = arith.constant 0 : i32
        %dma_wait3A_42 = tpu.memref_slice %arg8[%dma_wait3A, %dma_wait3A_41] : memref<10000x80xf32, #tpu.memory_space<vmem_shared>> -> memref<10000x80xf32, #tpu.memory_space<vmem_shared>>
        tpu.wait_indirect_dma semaphore(%run_scoped3A : memref<!tpu.dma_semaphore, #tpu.memory_space<semaphore_mem>>) src(%arg6 : memref<80x80xf32, #tpu.memory_space<vmem>>) dst(%dma_wait3A_42 : memref<10000x80xf32, #tpu.memory_space<vmem_shared>>)
        tpu.yield
      }) : () -> ()
    }
    %scan3A_22 = arith.constant 125 : i32
    %barrier3A_23 = arith.constant 0 : index
    tpu.barrier barrier_id(%barrier3A_23)
    %mul3A_24 = arith.constant 624 : i32
    %mul3A_25 = arith.muli %arg1, %mul3A_24 : i32
    "tpu.region"() ({
      %run_scoped3A = tpu.sem_alloc : memref<!tpu.dma_semaphore, #tpu.memory_space<semaphore_mem>>
      %dma_start3A = arith.constant 0 : i32
      %dma_start3A_31 = tpu.memref_slice %arg4[%arg0, %mul3A_25, %dma_start3A] : memref<2x10000x80xf32, #tpu.memory_space<hbm>> -> memref<1x624x80xf32, #tpu.memory_space<hbm>>
      %dma_start3A_32 = tpu.memref_squeeze %dma_start3A_31 : memref<1x624x80xf32, #tpu.memory_space<hbm>> -> memref<624x80xf32, #tpu.memory_space<hbm>>
      %dma_start3A_33 = arith.constant 0 : i32
      %dma_start3A_34 = tpu.memref_slice %arg8[%mul3A_25, %dma_start3A_33] : memref<10000x80xf32, #tpu.memory_space<vmem_shared>> -> memref<624x80xf32, #tpu.memory_space<vmem_shared>>
      tpu.enqueue_dma source(%dma_start3A_34 : memref<624x80xf32, #tpu.memory_space<vmem_shared>>) target(%dma_start3A_32 : memref<624x80xf32, #tpu.memory_space<hbm>>) target_semaphore(%run_scoped3A : memref<!tpu.dma_semaphore, #tpu.memory_space<semaphore_mem>>)
      %dma_wait3A = arith.constant 0 : i32
      %dma_wait3A_35 = tpu.memref_slice %arg4[%arg0, %mul3A_25, %dma_wait3A] : memref<2x10000x80xf32, #tpu.memory_space<hbm>> -> memref<1x624x80xf32, #tpu.memory_space<hbm>>
      %dma_wait3A_36 = tpu.memref_squeeze %dma_wait3A_35 : memref<1x624x80xf32, #tpu.memory_space<hbm>> -> memref<624x80xf32, #tpu.memory_space<hbm>>
      %dma_wait3A_37 = arith.constant 0 : i32
      %dma_wait3A_38 = tpu.memref_slice %arg8[%mul3A_25, %dma_wait3A_37] : memref<10000x80xf32, #tpu.memory_space<vmem_shared>> -> memref<624x80xf32, #tpu.memory_space<vmem_shared>>
      tpu.wait_dma2 semaphore(%run_scoped3A : memref<!tpu.dma_semaphore, #tpu.memory_space<semaphore_mem>>) src(%dma_wait3A_38 : memref<624x80xf32, #tpu.memory_space<vmem_shared>>) dst(%dma_wait3A_36 : memref<624x80xf32, #tpu.memory_space<hbm>>)
      tpu.yield
    }) : () -> ()
    %eq3A_26 = arith.constant 15 : i32
    %eq3A_27 = arith.cmpi eq, %arg1, %eq3A_26 : i32
    %convert_element_type3A_28 = arith.extui %eq3A_27 : i1 to i32
    %cond3A_29 = arith.constant 0 : i32
    %cond3A_30 = arith.cmpi ne, %convert_element_type3A_28, %cond3A_29 : i32
    scf.if %cond3A_30 {
      "tpu.region"() ({
        %run_scoped3A = tpu.sem_alloc : memref<!tpu.dma_semaphore, #tpu.memory_space<semaphore_mem>>
        %dma_start3A = arith.constant 9984 : i32
        %dma_start3A_31 = arith.constant 0 : i32
        %dma_start3A_32 = tpu.memref_slice %arg4[%arg0, %dma_start3A, %dma_start3A_31] : memref<2x10000x80xf32, #tpu.memory_space<hbm>> -> memref<1x16x80xf32, #tpu.memory_space<hbm>>
        %dma_start3A_33 = tpu.memref_squeeze %dma_start3A_32 : memref<1x16x80xf32, #tpu.memory_space<hbm>> -> memref<16x80xf32, #tpu.memory_space<hbm>>
        %dma_start3A_34 = arith.constant 9984 : i32
        %dma_start3A_35 = arith.constant 0 : i32
        %dma_start3A_36 = tpu.memref_slice %arg8[%dma_start3A_34, %dma_start3A_35] : memref<10000x80xf32, #tpu.memory_space<vmem_shared>> -> memref<16x80xf32, #tpu.memory_space<vmem_shared>>
        tpu.enqueue_dma source(%dma_start3A_36 : memref<16x80xf32, #tpu.memory_space<vmem_shared>>) target(%dma_start3A_33 : memref<16x80xf32, #tpu.memory_space<hbm>>) target_semaphore(%run_scoped3A : memref<!tpu.dma_semaphore, #tpu.memory_space<semaphore_mem>>)
        %dma_wait3A = arith.constant 9984 : i32
        %dma_wait3A_37 = arith.constant 0 : i32
        %dma_wait3A_38 = tpu.memref_slice %arg4[%arg0, %dma_wait3A, %dma_wait3A_37] : memref<2x10000x80xf32, #tpu.memory_space<hbm>> -> memref<1x16x80xf32, #tpu.memory_space<hbm>>
        %dma_wait3A_39 = tpu.memref_squeeze %dma_wait3A_38 : memref<1x16x80xf32, #tpu.memory_space<hbm>> -> memref<16x80xf32, #tpu.memory_space<hbm>>
        %dma_wait3A_40 = arith.constant 9984 : i32
        %dma_wait3A_41 = arith.constant 0 : i32
        %dma_wait3A_42 = tpu.memref_slice %arg8[%dma_wait3A_40, %dma_wait3A_41] : memref<10000x80xf32, #tpu.memory_space<vmem_shared>> -> memref<16x80xf32, #tpu.memory_space<vmem_shared>>
        tpu.wait_dma2 semaphore(%run_scoped3A : memref<!tpu.dma_semaphore, #tpu.memory_space<semaphore_mem>>) src(%dma_wait3A_42 : memref<16x80xf32, #tpu.memory_space<vmem_shared>>) dst(%dma_wait3A_39 : memref<16x80xf32, #tpu.memory_space<hbm>>)
        tpu.yield
      }) : () -> ()
    } else {
    }
    return
  }
}

module attributes {stable_mosaic.version = 14 : i64} {
  func.func @_proj_body(%arg0: i32, %arg1: memref<1000x128xf32, #tpu.memory_space<vmem>>, %arg2: memref<128x64xf32, #tpu.memory_space<vmem>>, %arg3: memref<64x128xf32, #tpu.memory_space<vmem>>, %arg4: memref<64x128xf32, #tpu.memory_space<vmem>>, %arg5: memref<64x128xf32, #tpu.memory_space<vmem>>, %arg6: memref<1x128xf32, #tpu.memory_space<vmem>>, %arg7: memref<1000x128xf32, #tpu.memory_space<vmem>>, %arg8: memref<1000x128xf32, #tpu.memory_space<vmem>>, %arg9: memref<1000x128xf32, #tpu.memory_space<vmem>>) attributes {dimension_semantics = [#tpu.dimension_semantics<arbitrary>], iteration_bounds = array<i64: 10>, scalar_prefetch = 0 : i64, scratch_operands = 0 : i64, tpu.core_type = #tpu.core_type<tc>, window_params = [{transform_indices = @transform_0, window_bounds = array<i64: 1000, 128>}, {pipeline_mode = #tpu.pipeline_mode<synchronous>, transform_indices = @transform_1, window_bounds = array<i64: 128, 64>}, {pipeline_mode = #tpu.pipeline_mode<synchronous>, transform_indices = @transform_2, window_bounds = array<i64: 64, 128>}, {pipeline_mode = #tpu.pipeline_mode<synchronous>, transform_indices = @transform_3, window_bounds = array<i64: 64, 128>}, {pipeline_mode = #tpu.pipeline_mode<synchronous>, transform_indices = @transform_4, window_bounds = array<i64: 64, 128>}, {pipeline_mode = #tpu.pipeline_mode<synchronous>, transform_indices = @transform_5, window_bounds = array<i64: 1, 128>}, {transform_indices = @transform_6, window_bounds = array<i64: 1000, 128>}, {transform_indices = @transform_7, window_bounds = array<i64: 1000, 128>}, {transform_indices = @transform_8, window_bounds = array<i64: 1000, 128>}]} {
    %get3A = arith.constant 0 : index
    %get3A_0 = arith.constant 0 : index
    %get3A_1 = vector.load %arg1[%get3A, %get3A_0] : memref<1000x128xf32, #tpu.memory_space<vmem>>, vector<1000x128xf32>
    %get3A_2 = arith.constant 0 : index
    %get3A_3 = arith.constant 0 : index
    %get3A_4 = vector.load %arg2[%get3A_2, %get3A_3] : memref<128x64xf32, #tpu.memory_space<vmem>>, vector<128x64xf32>
    %dot_general3A = arith.constant dense<0.000000e+00> : vector<1000x64xf32>
    %dot_general3A_5 = tpu.matmul %get3A_1, %get3A_4, %dot_general3A {dimension_numbers = #tpu.dot_dimension_numbers<[1], [0], [0], [1], [0, 0, 1, 1], [], []>, transpose_lhs_hint = false} : vector<1000x128xf32>, vector<128x64xf32>, vector<1000x64xf32> -> vector<1000x64xf32>
    %get3A_6 = arith.constant 0 : index
    %get3A_7 = arith.constant 0 : index
    %get3A_8 = vector.load %arg3[%get3A_6, %get3A_7] : memref<64x128xf32, #tpu.memory_space<vmem>>, vector<64x128xf32>
    %dot_general3A_9 = arith.constant dense<0.000000e+00> : vector<1000x128xf32>
    %dot_general3A_10 = tpu.matmul %dot_general3A_5, %get3A_8, %dot_general3A_9 {dimension_numbers = #tpu.dot_dimension_numbers<[1], [0], [0], [1], [0, 0, 1, 1], [], []>, transpose_lhs_hint = false} : vector<1000x64xf32>, vector<64x128xf32>, vector<1000x128xf32> -> vector<1000x128xf32>
    %get3A_11 = arith.constant 0 : index
    %get3A_12 = arith.constant 0 : index
    %get3A_13 = vector.load %arg6[%get3A_11, %get3A_12] : memref<1x128xf32, #tpu.memory_space<vmem>>, vector<1x128xf32>
    %add3A = vector.broadcast %get3A_13 : vector<1x128xf32> to vector<1000x128xf32>
    %add3A_14 = arith.addf %dot_general3A_10, %add3A : vector<1000x128xf32>
    %swap3A = arith.constant 0 : index
    %swap3A_15 = arith.constant 0 : index
    %swap3A_16 = vector.load %arg7[%swap3A, %swap3A_15] : memref<1000x128xf32, #tpu.memory_space<vmem>>, vector<1000x128xf32>
    tpu.vector_store %arg7[%swap3A, %swap3A_15], %add3A_14 {strides = array<i32>} : memref<1000x128xf32, #tpu.memory_space<vmem>>, vector<1000x128xf32>,
    %get3A_17 = arith.constant 0 : index
    %get3A_18 = arith.constant 0 : index
    %get3A_19 = vector.load %arg4[%get3A_17, %get3A_18] : memref<64x128xf32, #tpu.memory_space<vmem>>, vector<64x128xf32>
    %dot_general3A_20 = arith.constant dense<0.000000e+00> : vector<1000x128xf32>
    %dot_general3A_21 = tpu.matmul %dot_general3A_5, %get3A_19, %dot_general3A_20 {dimension_numbers = #tpu.dot_dimension_numbers<[1], [0], [0], [1], [0, 0, 1, 1], [], []>, transpose_lhs_hint = false} : vector<1000x64xf32>, vector<64x128xf32>, vector<1000x128xf32> -> vector<1000x128xf32>
    %swap3A_22 = arith.constant 0 : index
    %swap3A_23 = arith.constant 0 : index
    %swap3A_24 = vector.load %arg8[%swap3A_22, %swap3A_23] : memref<1000x128xf32, #tpu.memory_space<vmem>>, vector<1000x128xf32>
    tpu.vector_store %arg8[%swap3A_22, %swap3A_23], %dot_general3A_21 {strides = array<i32>} : memref<1000x128xf32, #tpu.memory_space<vmem>>, vector<1000x128xf32>,
    %get3A_25 = arith.constant 0 : index
    %get3A_26 = arith.constant 0 : index
    %get3A_27 = vector.load %arg5[%get3A_25, %get3A_26] : memref<64x128xf32, #tpu.memory_space<vmem>>, vector<64x128xf32>
    %dot_general3A_28 = arith.constant dense<0.000000e+00> : vector<1000x128xf32>
    %dot_general3A_29 = tpu.matmul %dot_general3A_5, %get3A_27, %dot_general3A_28 {dimension_numbers = #tpu.dot_dimension_numbers<[1], [0], [0], [1], [0, 0, 1, 1], [], []>, transpose_lhs_hint = false} : vector<1000x64xf32>, vector<64x128xf32>, vector<1000x128xf32> -> vector<1000x128xf32>
    %swap3A_30 = arith.constant 0 : index
    %swap3A_31 = arith.constant 0 : index
    %swap3A_32 = vector.load %arg9[%swap3A_30, %swap3A_31] : memref<1000x128xf32, #tpu.memory_space<vmem>>, vector<1000x128xf32>
    tpu.vector_store %arg9[%swap3A_30, %swap3A_31], %dot_general3A_29 {strides = array<i32>} : memref<1000x128xf32, #tpu.memory_space<vmem>>, vector<1000x128xf32>,
    return
  }
  func.func @transform_0(%arg0: i32) -> (i32, i32) {
    %c0_i32 = arith.constant 0 : i32
    %c0_i32_0 = arith.constant 0 : i32
    return %arg0, %c0_i32 : i32, i32
  }
  func.func @transform_1(%arg0: i32) -> (i32, i32) {
    %c0_i32 = arith.constant 0 : i32
    %c0_i32_0 = arith.constant 0 : i32
    %c0_i32_1 = arith.constant 0 : i32
    return %c0_i32, %c0_i32_0 : i32, i32
  }
  func.func @transform_2(%arg0: i32) -> (i32, i32) {
    %c0_i32 = arith.constant 0 : i32
    %c0_i32_0 = arith.constant 0 : i32
    %c0_i32_1 = arith.constant 0 : i32
    return %c0_i32, %c0_i32_0 : i32, i32
  }
  func.func @transform_3(%arg0: i32) -> (i32, i32) {
    %c0_i32 = arith.constant 0 : i32
    %c0_i32_0 = arith.constant 0 : i32
    %c0_i32_1 = arith.constant 0 : i32
    return %c0_i32, %c0_i32_0 : i32, i32
  }
  func.func @transform_4(%arg0: i32) -> (i32, i32) {
    %c0_i32 = arith.constant 0 : i32
    %c0_i32_0 = arith.constant 0 : i32
    %c0_i32_1 = arith.constant 0 : i32
    return %c0_i32, %c0_i32_0 : i32, i32
  }
  func.func @transform_5(%arg0: i32) -> (i32, i32) {
    %c0_i32 = arith.constant 0 : i32
    %c0_i32_0 = arith.constant 0 : i32
    %c0_i32_1 = arith.constant 0 : i32
    return %c0_i32, %c0_i32_0 : i32, i32
  }
  func.func @transform_6(%arg0: i32) -> (i32, i32) {
    %c0_i32 = arith.constant 0 : i32
    %c0_i32_0 = arith.constant 0 : i32
    return %arg0, %c0_i32 : i32, i32
  }
  func.func @transform_7(%arg0: i32) -> (i32, i32) {
    %c0_i32 = arith.constant 0 : i32
    %c0_i32_0 = arith.constant 0 : i32
    return %arg0, %c0_i32 : i32, i32
  }
  func.func @transform_8(%arg0: i32) -> (i32, i32) {
    %c0_i32 = arith.constant 0 : i32
    %c0_i32_0 = arith.constant 0 : i32
    return %arg0, %c0_i32 : i32, i32
  }
}

module attributes {stable_mosaic.version = 14 : i64} {
  func.func @_mid_body(%arg0: i32, %arg1: memref<1000x80xf32, #tpu.memory_space<vmem>>, %arg2: memref<1000x80xf32, #tpu.memory_space<vmem>>, %arg3: memref<80x64xf32, #tpu.memory_space<vmem>>, %arg4: memref<1x64xf32, #tpu.memory_space<vmem>>, %arg5: memref<64x64xf32, #tpu.memory_space<vmem>>, %arg6: memref<64x128xf32, #tpu.memory_space<vmem>>, %arg7: memref<64x128xf32, #tpu.memory_space<vmem>>, %arg8: memref<64x128xf32, #tpu.memory_space<vmem>>, %arg9: memref<1x128xf32, #tpu.memory_space<vmem>>, %arg10: memref<1000x128xf32, #tpu.memory_space<vmem>>, %arg11: memref<1000x128xf32, #tpu.memory_space<vmem>>, %arg12: memref<1000x128xf32, #tpu.memory_space<vmem>>) attributes {dimension_semantics = [#tpu.dimension_semantics<arbitrary>], iteration_bounds = array<i64: 10>, scalar_prefetch = 0 : i64, scratch_operands = 0 : i64, tpu.core_type = #tpu.core_type<tc>, window_params = [{transform_indices = @transform_0, window_bounds = array<i64: 1000, 80>}, {transform_indices = @transform_1, window_bounds = array<i64: 1000, 80>}, {pipeline_mode = #tpu.pipeline_mode<synchronous>, transform_indices = @transform_2, window_bounds = array<i64: 80, 64>}, {pipeline_mode = #tpu.pipeline_mode<synchronous>, transform_indices = @transform_3, window_bounds = array<i64: 1, 64>}, {pipeline_mode = #tpu.pipeline_mode<synchronous>, transform_indices = @transform_4, window_bounds = array<i64: 64, 64>}, {pipeline_mode = #tpu.pipeline_mode<synchronous>, transform_indices = @transform_5, window_bounds = array<i64: 64, 128>}, {pipeline_mode = #tpu.pipeline_mode<synchronous>, transform_indices = @transform_6, window_bounds = array<i64: 64, 128>}, {pipeline_mode = #tpu.pipeline_mode<synchronous>, transform_indices = @transform_7, window_bounds = array<i64: 64, 128>}, {pipeline_mode = #tpu.pipeline_mode<synchronous>, transform_indices = @transform_8, window_bounds = array<i64: 1, 128>}, {transform_indices = @transform_9, window_bounds = array<i64: 1000, 128>}, {transform_indices = @transform_10, window_bounds = array<i64: 1000, 128>}, {transform_indices = @transform_11, window_bounds = array<i64: 1000, 128>}]} {
    %get3A = arith.constant 0 : index
    %get3A_0 = arith.constant 0 : index
    %get3A_1 = vector.load %arg1[%get3A, %get3A_0] : memref<1000x80xf32, #tpu.memory_space<vmem>>, vector<1000x80xf32>
    %get3A_2 = arith.constant 0 : index
    %get3A_3 = arith.constant 0 : index
    %get3A_4 = vector.load %arg2[%get3A_2, %get3A_3] : memref<1000x80xf32, #tpu.memory_space<vmem>>, vector<1000x80xf32>
    %add3A = arith.addf %get3A_1, %get3A_4 : vector<1000x80xf32>
    %get3A_5 = arith.constant 0 : index
    %get3A_6 = arith.constant 0 : index
    %get3A_7 = vector.load %arg3[%get3A_5, %get3A_6] : memref<80x64xf32, #tpu.memory_space<vmem>>, vector<80x64xf32>
    %dot_general3A = arith.constant dense<0.000000e+00> : vector<1000x64xf32>
    %dot_general3A_8 = tpu.matmul %add3A, %get3A_7, %dot_general3A {dimension_numbers = #tpu.dot_dimension_numbers<[1], [0], [0], [1], [0, 0, 1, 1], [], []>, transpose_lhs_hint = false} : vector<1000x80xf32>, vector<80x64xf32>, vector<1000x64xf32> -> vector<1000x64xf32>
    %slice3A = vector.extract_strided_slice %add3A {offsets = [0, 0], sizes = [1000, 64], strides = [1, 1]} : vector<1000x80xf32> to vector<1000x64xf32>
    %add3A_9 = arith.constant 1.000000e-16 : f32
    %add3A_10 = vector.broadcast %add3A_9 : f32 to vector<1000x64xf32>
    %add3A_11 = arith.addf %dot_general3A_8, %add3A_10 : vector<1000x64xf32>
    %div3A = arith.divf %slice3A, %add3A_11 : vector<1000x64xf32>
    %get3A_12 = arith.constant 0 : index
    %get3A_13 = arith.constant 0 : index
    %get3A_14 = vector.load %arg4[%get3A_12, %get3A_13] : memref<1x64xf32, #tpu.memory_space<vmem>>, vector<1x64xf32>
    %add3A_15 = vector.broadcast %get3A_14 : vector<1x64xf32> to vector<1000x64xf32>
    %add3A_16 = arith.addf %div3A, %add3A_15 : vector<1000x64xf32>
    %gt3A = arith.constant 0.000000e+00 : f32
    %gt3A_17 = vector.broadcast %gt3A : f32 to vector<1000x64xf32>
    %gt3A_18 = arith.cmpf ogt, %add3A_16, %gt3A_17 : vector<1000x64xf32>
    %exp3A = math.exp %add3A_16 : vector<1000x64xf32>
    %sub3A = arith.constant 1.000000e+00 : f32
    %sub3A_19 = vector.broadcast %sub3A : f32 to vector<1000x64xf32>
    %sub3A_20 = arith.subf %exp3A, %sub3A_19 : vector<1000x64xf32>
    %select_n3A = arith.select %gt3A_18, %add3A_16, %sub3A_20 : vector<1000x64xi1>, vector<1000x64xf32>
    %get3A_21 = arith.constant 0 : index
    %get3A_22 = arith.constant 0 : index
    %get3A_23 = vector.load %arg5[%get3A_21, %get3A_22] : memref<64x64xf32, #tpu.memory_space<vmem>>, vector<64x64xf32>
    %dot_general3A_24 = arith.constant dense<0.000000e+00> : vector<1000x64xf32>
    %dot_general3A_25 = tpu.matmul %select_n3A, %get3A_23, %dot_general3A_24 {dimension_numbers = #tpu.dot_dimension_numbers<[1], [0], [0], [1], [0, 0, 1, 1], [], []>, transpose_lhs_hint = false} : vector<1000x64xf32>, vector<64x64xf32>, vector<1000x64xf32> -> vector<1000x64xf32>
    %get3A_26 = arith.constant 0 : index
    %get3A_27 = arith.constant 0 : index
    %get3A_28 = vector.load %arg6[%get3A_26, %get3A_27] : memref<64x128xf32, #tpu.memory_space<vmem>>, vector<64x128xf32>
    %dot_general3A_29 = arith.constant dense<0.000000e+00> : vector<1000x128xf32>
    %dot_general3A_30 = tpu.matmul %dot_general3A_25, %get3A_28, %dot_general3A_29 {dimension_numbers = #tpu.dot_dimension_numbers<[1], [0], [0], [1], [0, 0, 1, 1], [], []>, transpose_lhs_hint = false} : vector<1000x64xf32>, vector<64x128xf32>, vector<1000x128xf32> -> vector<1000x128xf32>
    %get3A_31 = arith.constant 0 : index
    %get3A_32 = arith.constant 0 : index
    %get3A_33 = vector.load %arg9[%get3A_31, %get3A_32] : memref<1x128xf32, #tpu.memory_space<vmem>>, vector<1x128xf32>
    %add3A_34 = vector.broadcast %get3A_33 : vector<1x128xf32> to vector<1000x128xf32>
    %add3A_35 = arith.addf %dot_general3A_30, %add3A_34 : vector<1000x128xf32>
    %swap3A = arith.constant 0 : index
    %swap3A_36 = arith.constant 0 : index
    %swap3A_37 = vector.load %arg10[%swap3A, %swap3A_36] : memref<1000x128xf32, #tpu.memory_space<vmem>>, vector<1000x128xf32>
    tpu.vector_store %arg10[%swap3A, %swap3A_36], %add3A_35 {strides = array<i32>} : memref<1000x128xf32, #tpu.memory_space<vmem>>, vector<1000x128xf32>,
    %get3A_38 = arith.constant 0 : index
    %get3A_39 = arith.constant 0 : index
    %get3A_40 = vector.load %arg7[%get3A_38, %get3A_39] : memref<64x128xf32, #tpu.memory_space<vmem>>, vector<64x128xf32>
    %dot_general3A_41 = arith.constant dense<0.000000e+00> : vector<1000x128xf32>
    %dot_general3A_42 = tpu.matmul %dot_general3A_25, %get3A_40, %dot_general3A_41 {dimension_numbers = #tpu.dot_dimension_numbers<[1], [0], [0], [1], [0, 0, 1, 1], [], []>, transpose_lhs_hint = false} : vector<1000x64xf32>, vector<64x128xf32>, vector<1000x128xf32> -> vector<1000x128xf32>
    %swap3A_43 = arith.constant 0 : index
    %swap3A_44 = arith.constant 0 : index
    %swap3A_45 = vector.load %arg11[%swap3A_43, %swap3A_44] : memref<1000x128xf32, #tpu.memory_space<vmem>>, vector<1000x128xf32>
    tpu.vector_store %arg11[%swap3A_43, %swap3A_44], %dot_general3A_42 {strides = array<i32>} : memref<1000x128xf32, #tpu.memory_space<vmem>>, vector<1000x128xf32>,
    %get3A_46 = arith.constant 0 : index
    %get3A_47 = arith.constant 0 : index
    %get3A_48 = vector.load %arg8[%get3A_46, %get3A_47] : memref<64x128xf32, #tpu.memory_space<vmem>>, vector<64x128xf32>
    %dot_general3A_49 = arith.constant dense<0.000000e+00> : vector<1000x128xf32>
    %dot_general3A_50 = tpu.matmul %dot_general3A_25, %get3A_48, %dot_general3A_49 {dimension_numbers = #tpu.dot_dimension_numbers<[1], [0], [0], [1], [0, 0, 1, 1], [], []>, transpose_lhs_hint = false} : vector<1000x64xf32>, vector<64x128xf32>, vector<1000x128xf32> -> vector<1000x128xf32>
    %swap3A_51 = arith.constant 0 : index
    %swap3A_52 = arith.constant 0 : index
    %swap3A_53 = vector.load %arg12[%swap3A_51, %swap3A_52] : memref<1000x128xf32, #tpu.memory_space<vmem>>, vector<1000x128xf32>
    tpu.vector_store %arg12[%swap3A_51, %swap3A_52], %dot_general3A_50 {strides = array<i32>} : memref<1000x128xf32, #tpu.memory_space<vmem>>, vector<1000x128xf32>,
    return
  }
  func.func @transform_0(%arg0: i32) -> (i32, i32) {
    %c0_i32 = arith.constant 0 : i32
    %c0_i32_0 = arith.constant 0 : i32
    return %arg0, %c0_i32 : i32, i32
  }
  func.func @transform_1(%arg0: i32) -> (i32, i32) {
    %c0_i32 = arith.constant 0 : i32
    %c0_i32_0 = arith.constant 0 : i32
    return %arg0, %c0_i32 : i32, i32
  }
  func.func @transform_2(%arg0: i32) -> (i32, i32) {
    %c0_i32 = arith.constant 0 : i32
    %c0_i32_0 = arith.constant 0 : i32
    %c0_i32_1 = arith.constant 0 : i32
    return %c0_i32, %c0_i32_0 : i32, i32
  }
  func.func @transform_3(%arg0: i32) -> (i32, i32) {
    %c0_i32 = arith.constant 0 : i32
    %c0_i32_0 = arith.constant 0 : i32
    %c0_i32_1 = arith.constant 0 : i32
    return %c0_i32, %c0_i32_0 : i32, i32
  }
  func.func @transform_4(%arg0: i32) -> (i32, i32) {
    %c0_i32 = arith.constant 0 : i32
    %c0_i32_0 = arith.constant 0 : i32
    %c0_i32_1 = arith.constant 0 : i32
    return %c0_i32, %c0_i32_0 : i32, i32
  }
  func.func @transform_5(%arg0: i32) -> (i32, i32) {
    %c0_i32 = arith.constant 0 : i32
    %c0_i32_0 = arith.constant 0 : i32
    %c0_i32_1 = arith.constant 0 : i32
    return %c0_i32, %c0_i32_0 : i32, i32
  }
  func.func @transform_6(%arg0: i32) -> (i32, i32) {
    %c0_i32 = arith.constant 0 : i32
    %c0_i32_0 = arith.constant 0 : i32
    %c0_i32_1 = arith.constant 0 : i32
    return %c0_i32, %c0_i32_0 : i32, i32
  }
  func.func @transform_7(%arg0: i32) -> (i32, i32) {
    %c0_i32 = arith.constant 0 : i32
    %c0_i32_0 = arith.constant 0 : i32
    %c0_i32_1 = arith.constant 0 : i32
    return %c0_i32, %c0_i32_0 : i32, i32
  }
  func.func @transform_8(%arg0: i32) -> (i32, i32) {
    %c0_i32 = arith.constant 0 : i32
    %c0_i32_0 = arith.constant 0 : i32
    %c0_i32_1 = arith.constant 0 : i32
    return %c0_i32, %c0_i32_0 : i32, i32
  }
  func.func @transform_9(%arg0: i32) -> (i32, i32) {
    %c0_i32 = arith.constant 0 : i32
    %c0_i32_0 = arith.constant 0 : i32
    return %arg0, %c0_i32 : i32, i32
  }
  func.func @transform_10(%arg0: i32) -> (i32, i32) {
    %c0_i32 = arith.constant 0 : i32
    %c0_i32_0 = arith.constant 0 : i32
    return %arg0, %c0_i32 : i32, i32
  }
  func.func @transform_11(%arg0: i32) -> (i32, i32) {
    %c0_i32 = arith.constant 0 : i32
    %c0_i32_0 = arith.constant 0 : i32
    return %arg0, %c0_i32 : i32, i32
  }
}

module attributes {stable_mosaic.version = 14 : i64} {
  func.func @_fin_body(%arg0: i32, %arg1: memref<1000x80xf32, #tpu.memory_space<vmem>>, %arg2: memref<1000x80xf32, #tpu.memory_space<vmem>>, %arg3: memref<1x64xf32, #tpu.memory_space<vmem>>, %arg4: memref<1000x64xf32, #tpu.memory_space<vmem>>) attributes {dimension_semantics = [#tpu.dimension_semantics<arbitrary>], iteration_bounds = array<i64: 10>, scalar_prefetch = 0 : i64, scratch_operands = 0 : i64, tpu.core_type = #tpu.core_type<tc>, window_params = [{transform_indices = @transform_0, window_bounds = array<i64: 1000, 80>}, {transform_indices = @transform_1, window_bounds = array<i64: 1000, 80>}, {pipeline_mode = #tpu.pipeline_mode<synchronous>, transform_indices = @transform_2, window_bounds = array<i64: 1, 64>}, {transform_indices = @transform_3, window_bounds = array<i64: 1000, 64>}]} {
    %get3A = arith.constant 0 : index
    %get3A_0 = arith.constant 0 : index
    %get3A_1 = vector.load %arg1[%get3A, %get3A_0] : memref<1000x80xf32, #tpu.memory_space<vmem>>, vector<1000x80xf32>
    %get3A_2 = arith.constant 0 : index
    %get3A_3 = arith.constant 0 : index
    %get3A_4 = vector.load %arg2[%get3A_2, %get3A_3] : memref<1000x80xf32, #tpu.memory_space<vmem>>, vector<1000x80xf32>
    %add3A = arith.addf %get3A_1, %get3A_4 : vector<1000x80xf32>
    %slice3A = vector.extract_strided_slice %add3A {offsets = [0, 0], sizes = [1000, 64], strides = [1, 1]} : vector<1000x80xf32> to vector<1000x64xf32>
    %slice3A_5 = vector.extract_strided_slice %add3A {offsets = [0, 64], sizes = [1000, 1], strides = [1, 1]} : vector<1000x80xf32> to vector<1000x1xf32>
    %add3A_6 = arith.constant 1.000000e-16 : f32
    %add3A_7 = vector.broadcast %add3A_6 : f32 to vector<1000x1xf32>
    %add3A_8 = arith.addf %slice3A_5, %add3A_7 : vector<1000x1xf32>
    %div3A = vector.broadcast %add3A_8 : vector<1000x1xf32> to vector<1000x64xf32>
    %div3A_9 = arith.divf %slice3A, %div3A : vector<1000x64xf32>
    %get3A_10 = arith.constant 0 : index
    %get3A_11 = arith.constant 0 : index
    %get3A_12 = vector.load %arg3[%get3A_10, %get3A_11] : memref<1x64xf32, #tpu.memory_space<vmem>>, vector<1x64xf32>
    %add3A_13 = vector.broadcast %get3A_12 : vector<1x64xf32> to vector<1000x64xf32>
    %add3A_14 = arith.addf %div3A_9, %add3A_13 : vector<1000x64xf32>
    %swap3A = arith.constant 0 : index
    %swap3A_15 = arith.constant 0 : index
    %swap3A_16 = vector.load %arg4[%swap3A, %swap3A_15] : memref<1000x64xf32, #tpu.memory_space<vmem>>, vector<1000x64xf32>
    tpu.vector_store %arg4[%swap3A, %swap3A_15], %add3A_14 {strides = array<i32>} : memref<1000x64xf32, #tpu.memory_space<vmem>>, vector<1000x64xf32>,
    return
  }
  func.func @transform_0(%arg0: i32) -> (i32, i32) {
    %c0_i32 = arith.constant 0 : i32
    %c0_i32_0 = arith.constant 0 : i32
    return %arg0, %c0_i32 : i32, i32
  }
  func.func @transform_1(%arg0: i32) -> (i32, i32) {
    %c0_i32 = arith.constant 0 : i32
    %c0_i32_0 = arith.constant 0 : i32
    return %arg0, %c0_i32 : i32, i32
  }
  func.func @transform_2(%arg0: i32) -> (i32, i32) {
    %c0_i32 = arith.constant 0 : i32
    %c0_i32_0 = arith.constant 0 : i32
    %c0_i32_1 = arith.constant 0 : i32
    return %c0_i32, %c0_i32_0 : i32, i32
  }
  func.func @transform_3(%arg0: i32) -> (i32, i32) {
    %c0_i32 = arith.constant 0 : i32
    %c0_i32_0 = arith.constant 0 : i32
    return %arg0, %c0_i32 : i32, i32
  }
}

</mosaic_0001>

<sc_bundles>
// kernel: kernel.12.cloned.1.call-start
scs
__scs_entry_jumppad:
0x0: {  	(pc) =	sbr.rel $0x88, $3  }
0x1: {  	(tag) =	ssettag $0x0;
	lr =	simm.s32 $0x1  }
0x2: {  	[smem:$0x3F97] =	sst lr;
	_ =	strace $0xD0000000  }
0x3: {  	_ = 	snop  }
0x4: {  	_ = 	snop  }
0x5: {  	_ = 	snop  }
0x6: {  	_ = 	snop  }
0x7: {  	_ = 	snop  }
__scs_overlays_trampoline_lowered:
0x8: {  	[smem:$0x3FA6] =	sst s0  }
0x9: {  	[smem:$0x3FA7] =	sst s1  }
0xa: {  	[smem:$0x3FA8] =	sst s2  }
0xb: {  	[smem:$0x3FA9] =	sst s3  }
0xc: {  	[smem:$0x3FAA] =	sst s4  }
0xd: {  	[smem:$0x3FAB] =	sst s5  }
0xe: {  	[smem:$0x3FAC] =	sst s6  }
0xf: {  	[smem:$0x3FAD] =	sst s7  }
0x10: {  	[smem:$0x3FAE] =	sst s8  }
0x11: {  	[smem:$0x3FAF] =	sst s9;
	s0 =	simm.s32 @!p0 $0x0  }
0x12: {  	s1 =	sld [smem:$0x3F95];
	s0 =	simm.s32 @p0 $0x1  }
0x13: {  	[smem:$0x3FB0] =	sst s0;
	s0 =	simm.s32 @!p1 $0x0  }
0x14: {  	s2 =	sld [smem:$0x3F94];
	s0 =	simm.s32 @p1 $0x1  }
0x15: {  	[smem:$0x3FB1] =	sst s0;
	s0 =	simm.s32 @!p2 $0x0  }
0x16: {  	s3 =	sld [smem:$0x3FDB];
	s0 =	simm.s32 @p2 $0x1  }
0x17: {  	s4 =	simm.s32 $0x1BF5;
	[smem:$0x3FB3] =	sst s0  }
0x18: {  	s0 =	sld [smem:$0x3F96];
	_ =	swait.ge [sflag:s4], $0x0  }
0x19: {  	s7 =	sld [smem:$0x3F97]  }
0x1a: {  	s8 =	sadd.s32 $0xFFFFE003, lr  }
0x1b: {  	s9 =	sadd.s32 $0xFFFFFEF7, lr;
	s5 =	simm.s32 $0xFFFFFFFF;
	p2 =	slt.u32 s8, $0xFFFFF086  }
0x1c: {  	p1 =	slt.u32 s9, $0xF7A;
	s5 =	simm.s32 @!p2 $0x0  }
0x1d: {  	s5 =	simm.s32 @p1 $0x1;
	p0 =	seq.s32 s7, s2  }
0x1e: {  	s7 =	smul.u32 @!p0 $0xF7A, s2;
	p2 =	seq.s32 @!p0 s5, $0x0  }
0x1f: {  	s9 =	smul.u32 $0xF7A, s1;
	s8 =	simm.s32 @!p0 $0x1BF5;
	p2 =	por !p2, p0  }
0x20: {  	[sflag:s8] =	ssyncset.s32 @!p0 $0xFFFFF086;
	s6 =	sadd.s32 @!p0 s3, s7;
	s7 =	simm.s32 @!p0 $0x108  }
0x21: {  	s3 =	sadd.s32 s3, s9;
	s6 =	sadd.s32 @!p0 $0x88, s6;
	s7 =	simm.s32 @p2 $0x1082  }
0x22: {  	[simem:s7], [sflag:s8] =	dma.local @!p0 [hbm:s6], $0xF7A  }
0x23: {  	s9 =	sor.u32 $0xD0000000, s2;
	s6 =	simm.s32 $0x108;
	_ =	swait.ge @!p0 [sflag:s8], $0x0  }
0x24: {  	s3 =	sadd.s32 $0x88, s3;
	s6 =	simm.s32 @!p1 $0x1082;
	[sflag:s4] =	ssyncset.s32 $0xFFFFF086  }
0x25: {  	[simem:s6], [sflag:s4] =	dma.local [hbm:s3], $0xF7A  }
0x26: {  	[smem:$0x3F97] =	sst s1;
	(tag) =	ssettag s2;
	_ =	strace s9  }
0x27: {  	s1 =	sld [smem:$0x3FA7]  }
0x28: {  	s2 =	sld [smem:$0x3FA8]  }
0x29: {  	s4 =	sld [smem:$0x3FAA]  }
0x2a: {  	p0 =	seq.s32 s5, $0x0;
	s5 =	sld [smem:$0x3FAB]  }
0x2b: {  	s6 =	sld [smem:$0x3FAC]  }
0x2c: {  	s7 =	sld [smem:$0x3FAD]  }
0x2d: {  	s3 =	simm.s32 $0x108;
	s8 =	sld [smem:$0x3FAE]  }
0x2e: {  	s3 =	simm.s32 @!p0 $0x1082;
	s9 =	sld [smem:$0x3FAF]  }
0x2f: {  	lr =	sadd.s32 s0, s3;
	s0 =	sld [smem:$0x3FA6]  }
0x30: {  	s3 =	sld [smem:$0x3FA9]  }
0x31: {  	[smem:$0x3FB2] =	sst s10  }
0x32: {  	s10 =	sld [smem:$0x3FB0];
	_ =	sdelay $0x3  }
0x33: {  	p0 =	seq.s32 s10, $0x1;
	s10 =	sld [smem:$0x3FB2];
	_ =	sdelay $0x3  }
0x34: {  	[smem:$0x3FB2] =	sst s10  }
0x35: {  	s10 =	sld [smem:$0x3FB1];
	_ =	sdelay $0x3  }
0x36: {  	p1 =	seq.s32 s10, $0x1;
	s10 =	sld [smem:$0x3FB2];
	_ =	sdelay $0x3  }
0x37: {  	[smem:$0x3FB2] =	sst s10  }
0x38: {  	s10 =	sld [smem:$0x3FB3]  }
0x39: {  	_ = 	snop;
	(pc) =	sbr.ind lr, $3  }
0x3a: {  	_ = 	snop  }
0x3b: {  	_ = 	snop  }
0x3c: {  	p2 =	seq.s32 s10, $0x1;
	s10 =	sld [smem:$0x3FB2]  }
0x3d: {  	_ =	shalt  }
0x3e: {  	_ =	shalt  }
0x3f: {  	_ =	shalt  }
0x40: {  	_ =	shalt  }
0x41: {  	_ =	shalt  }
0x42: {  	_ =	shalt  }
0x43: {  	_ =	shalt  }
0x44: {  	_ =	shalt  }
0x45: {  	_ =	shalt  }
0x46: {  	_ =	shalt  }
0x47: {  	_ =	shalt  }
0x48: {  	_ =	shalt  }
0x49: {  	_ =	shalt  }
0x4a: {  	_ =	shalt  }
0x4b: {  	_ =	shalt  }
0x4c: {  	_ =	shalt  }
0x4d: {  	_ =	shalt  }
0x4e: {  	_ =	shalt  }
0x4f: {  	_ =	shalt  }
0x50: {  	_ =	shalt  }
0x51: {  	_ =	shalt  }
0x52: {  	_ =	shalt  }
0x53: {  	_ =	shalt  }
0x54: {  	_ =	shalt  }
0x55: {  	_ =	shalt  }
0x56: {  	_ =	shalt  }
0x57: {  	_ =	shalt  }
0x58: {  	_ =	shalt  }
0x59: {  	_ =	shalt  }
0x5a: {  	_ =	shalt  }
0x5b: {  	_ =	shalt  }
0x5c: {  	_ =	shalt  }
0x5d: {  	_ =	shalt  }
0x5e: {  	_ =	shalt  }
0x5f: {  	_ =	shalt  }
0x60: {  	_ =	shalt  }
0x61: {  	_ =	shalt  }
0x62: {  	_ =	shalt  }
0x63: {  	_ =	shalt  }
0x64: {  	_ =	shalt  }
0x65: {  	_ =	shalt  }
0x66: {  	_ =	shalt  }
0x67: {  	_ =	shalt  }
0x68: {  	_ =	shalt  }
0x69: {  	_ =	shalt  }
0x6a: {  	_ =	shalt  }
0x6b: {  	_ =	shalt  }
0x6c: {  	_ =	shalt  }
0x6d: {  	_ =	shalt  }
0x6e: {  	_ =	shalt  }
0x6f: {  	_ =	shalt  }
0x70: {  	_ =	shalt  }
0x71: {  	_ =	shalt  }
0x72: {  	_ =	shalt  }
0x73: {  	_ =	shalt  }
0x74: {  	_ =	shalt  }
0x75: {  	_ =	shalt  }
0x76: {  	_ =	shalt  }
0x77: {  	_ =	shalt  }
0x78: {  	_ =	shalt  }
0x79: {  	_ =	shalt  }
0x7a: {  	_ =	shalt  }
0x7b: {  	_ =	shalt  }
0x7c: {  	_ =	shalt  }
0x7d: {  	_ =	shalt  }
0x7e: {  	_ =	shalt  }
0x7f: {  	_ =	shalt  }
0x80: {  	_ =	shalt  }
0x81: {  	_ =	shalt  }
0x82: {  	_ =	shalt  }
0x83: {  	_ =	shalt  }
0x84: {  	_ =	shalt  }
0x85: {  	_ =	shalt  }
0x86: {  	_ =	shalt  }
0x87: {  	_ =	shalt  }
.Lfunc_end0:
.L_simem_size_0:
called_computation.1_lowered:
.L_overlay_start_0:
0x88: {  	s2 =	sld [smem:$0x3FD9]  }
0x89: {  	s3 =	sld [smem:$0x3FFE];
	_ =	sdelay $0x1  }
0x8a: {  	s1 =	srdreg.scid  }
0x8b: {  	s0 =	sand.u32 $0x1, s1  }
0x8c: {  	s17 =	sshll.u32 s0, $0xA;
	s2 =	sadd.s32 s3, s2  }
0x8d: {  	s2 =	sadd.s32 s2, s17  }
0x8e: {  	[smem:$0x3FBE] =	sst s2  }
0x8f: {  	_ = 	snop  }
0x90: {  	s2 =	sld [smem:$0x3FD0];
	(tm) =	ssettm $0x1  }
0x91: {  	s18 =	sld [smem:$0x3FFB];
	_ =	sdelay $0x3  }
0x92: {  	_ =	strace s18  }
0x93: {  	s3 =	sld [smem:$0x3FFC];
	_ =	sdelay $0x3  }
0x94: {  	_ =	strace s3  }
0x95: {  	s3 =	sld [smem:$0x3FFD];
	_ =	sdelay $0x3  }
0x96: {  	_ =	strace s3  }
0x97: {  	_ =	strace $0x8FFFFFFF  }
0x98: {  	s19 =	sld [smem:$0x3FDB];
	_ =	sdelay $0x1  }
0x99: {  	s4 =	simm.s32 $_scs_section_size  }
0x9a: {  	s5 =	simm.s32 $_size__tile_overlayer_lowered;
	s6 =	simm.s32 $_tile_overlayer_lowered  }
0x9b: {  	s22 =	simm.s32 $0x1BFF;
	s21 =	sshll.u32 s6, $0x1;
	s3 =	sadd.s32 s4, s19  }
0x9c: {  	s7 =	simm.s32 $0x0;
	s20 =	sshll.u32 s5, $0x1;
	s5 =	sadd.s32 s21, s3  }
0x9d: {  	[timem:s7], [sflag:s22] =	dma.local [hbm:s5], s20  }
0x9e: {  	_ =	swait.ge [sflag:s22], s20  }
0x9f: {  	s4 =	ssub.s32 $0x0, s20;
	[sflag:s22] =	ssyncset.done $0x0  }
0xa0: {  	[sflag:s22] =	ssyncadd.s32 s4;
	_ =	sdelay $0x1  }
0xa1: {  	s23 =	simm.s32 $0x1B8B  }
0xa2: {  	_ =	swait.ge [sflag:s23], $0x1  }
0xa3: {  	[sflag:s23] =	ssyncset.done $0x0  }
0xa4: {  	s25 =	simm.s32 $0x1B8E;
	s24 =	sld [smem:$0x3FFE];
	[sflag:s23] =	ssyncadd.s32 $0xFFFFFFFF  }
0xa5: {  	s26 =	simm.s32 $execute0_lowered;
	[smem:$0x3FD2] =	sst s25  }
0xa6: {  	s5 =	sshll.u32 s26, $0x1;
	_ =	strace $0x80000049;
	[dreg:$0x1] =	wrdreg $0xFFFFFFFF  }
0xa7: {  	s28 =	simm.s32 $_size_execute0_lowered;
	s3 =	sadd.s32 s3, s5;
	[dreg:$0x0] =	wrdreg $0x0  }
0xa8: {  	s5 =	sshll.u32 s28, $0x1;
	[dreg:$0x2] =	wrdreg s3  }
0xa9: {  	[dreg:$0x3] =	wrdreg s5  }
0xaa: {  	[dreg:$0x4] =	wrdreg $0xC0  }
0xab: {  	_ =	task [dreg:s7], $0x5FFFF  }
0xac: {  	[dreg:$0x1] =	wrdreg $0xFFFFFFFF  }
0xad: {  	[dreg:$0x0] =	wrdreg $0x60  }
0xae: {  	[dreg:$0x2] =	wrdreg s24  }
0xaf: {  	[dreg:$0x3] =	wrdreg s2  }
0xb0: {  	[dreg:$0x4] =	wrdreg $0x5C800  }
0xb1: {  	[dreg:$0x5] =	wrdreg $0x9  }
0xb2: {  	_ =	task.clear_ibuf [dreg:s7], $0x6FFFF;
	_ =	strace $0x90000049  }
0xb3: {  	s29 =	simm.s32 $0x9;
	_ =	strace $0x8000004B  }
0xb4: {  	_ =	swait.ge [sflag:s29], $0x1  }
0xb5: {  	[sflag:s29] =	ssyncadd.s32 $0xFFFFFFFF  }
0xb6: {  	_ =	strace $0x9000004B  }
0xb7: {  	_ =	sfence  }
0xb8: {  	s30 =	sld [smem:$0x0];
	_ =	sdelay $0x2  }
0xb9: {  	s31 =	sshll.u32 s1, $0xD;
	s1 =	sshrl.u32 s1, $0x2  }
0xba: {  	s3 =	sand.u32 $0x4000, s31;
	s1 =	sadd.s32 s1, s30  }
0xbb: {  	s0 =	sor.u32 s3, s0;
	s1 =	sshll.u32 s1, $0x11  }
0xbc: {  	s0 =	sor.u32 s1, s0  }
0xbd: {  	s0 =	sadd.s32 $0x8F2B, s0  }
0xbe: {  	[sflag:s0] =	ssyncadd.remote.s32 $0x1  }
0xbf: {  	_ =	sfence.sel $0xFFFF  }
0xc0: {  	[dreg:$0x0] =	wrdreg $0xFFFFFFFF;
	(pc) =	sbr.abs _section_cstart, $3  }
0xc1: {  	[dreg:$0x1] =	wrdreg $0xFFFFFFFF  }
0xc2: {  	_ =	task.clear_ibuf [dreg:s7], $0x2FFFF;
	_ =	strace $0x9FFFFFFF  }
0xc3: {  	(tm) =	ssettm $0x7FFFFFFF  }
tec
execute0_lowered:
.L_overlay_start_1:
0x0: {  	(tag) =	ssettag $0x1  }
0x1: {  	s4 =	rddreg [dreg:$0x0]  }
0x2: {  	s15 =	rddreg [dreg:$0x1];
	s0 =	srdreg.scid  }
0x3: {  	s1 =	rddreg [dreg:$0x2];
	s2 =	stileid.u32  }
0x4: {  	s3 =	simm.s32 $0x0;
	s18 =	simm.s32 $0x80;
	s8 =	smul.u32 $0x13800, s2  }
0x5: {  	s19 =	simm.s32 $0x50;
	s21 =	simm.s32 $0x0;
	s10 =	smul.u32 $0x4E000, s2  }
0x6: {  	s7 =	sand.u32 $0x1, s0;
	s0 =	rddreg [dreg:$0x3];
	s14 =	smul.u32 $0x27100, s2  }
0x7: {  	[smem:$0x7FF] =	sst s3;
	s9 =	sadd.s32 $0xD000, s4;
	s17 =	smul.u32 $0x2710, s2  }
0x8: {  	p0 =	sne.s32 s2, $0xF;
	s20 =	sshll.u32 s2, $0x6;
	s5 =	smul.u32 $0x271000, s7  }
0x9: {  	s6 =	smul.u32 $0x138800, s7;
	_ =	strace $0x8000004A;
	s29 =	ssub.s32 $0x2, s7  }
0xa: {  	s16 =	smul.u32 $0x27100, s7;
	s20 =	sor.u32 $0x1C01, s20;
	s31 =	sshrl.u32 s29, $0x1  }
0xb: {  	s10 =	sshrl.u32 s10, $0x2;
	s13 =	sadd.s32 s5, s4;
	s30 =	sadd.s32 s8, s6  }
0xc: {  	s8 =	ssub.s32 s29, s31;
	s4 =	sadd.s32 $0x138000, s1;
	s11 =	sshrl.u32 s6, $0x3  }
0xd: {  	s6 =	sadd.s32 s10, s1;
	s16 =	sadd.s32 s17, s16;
	s17 =	simm.s32 $0x1  }
0xe: {  	s5 =	sshrl.u32 s30, $0x3;
	s8 =	smax.u32 s8, $0x1;
	s10 =	sadd.s32 $0x6800, s6  }
0xf: {  	s12 =	sadd.s32 $0xD000, s6;
	s14 =	sadd.s32 s14, s13;
	s13 =	sadd.s32 $0x10400, s6  }
0x10: {  	s16 =	sshrl.u32 s16, $0x3;
	s5 =	sadd.s32 s9, s5;
	s9 =	sadd.s32 s9, s11  }
0x11: {  	s11 =	sadd.s32 $0x9C00, s6;
	s14 =	sadd.s32 $0x82600, s14;
	s15 =	sadd.s32 s16, s15  }
0x12: {  	v0 =	vimm.f32 $0.0e+00;
	s16 =	simm.s32 $0x2880;
	s7 =	sadd.s32 $0x27000, s9;
	s9 =	sadd.s32 $0x3400, s6  }
.LBB2_1:
0x13: {  	s23 =	simm.s32 $0x200;
	s22 =	simm.s32 $0x0  }
.LBB2_2:
0x14: {  	p1 =	sne.s32 s23, $0xCE00;
	[tilespmem:s22+$0x28C0] =	vst v0;
	s24 =	smov.u32 s23;
	s23 =	sadd.s32 $0x200, s23  }
.Ltmp0:
0x15: {  	[tilespmem:s22+$0x28B0] =	vst v0;
	(pc) =	sbr.rel @p1 .LBB2_2-.Ltmp0, $4  }
0x16: {  	[tilespmem:s22+$0x28A0] =	vst v0  }
0x17: {  	[tilespmem:s22+$0x2880] =	vst v0  }
0x18: {  	[tilespmem:s22+$0x2890] =	vst v0  }
0x19: {  	s22 =	sshra.s32 s24, $0x2  }
0x1a: {  	[tilespmem:s22+$0x28C0] =	vst v0  }
0x1b: {  	[tilespmem:s22+$0x28B0] =	vst v0  }
0x1c: {  	[tilespmem:s22+$0x28A0] =	vst v0  }
0x1d: {  	[tilespmem:s22+$0x2880] =	vst v0  }
0x1e: {  	[tilespmem:s22+$0x2890] =	vst v0  }
0x1f: {  	[spmem:s6] =	stream.linear.scatter [tilespmem:s16], [sflag:$0x1], $0x3400, $0x38;
	[tilespmem:$0x11FD0] =	vst v63  }
0x20: {  	_ =	swait.ge [sflag:s17], $0x3400  }
0x21: {  	[sflag:s17] =	ssyncset.done $0x0  }
0x22: {  	[sflag:s17] =	ssyncadd.s32 $0xFFFFCC00  }
0x23: {  	[spmem:s9] =	stream.linear.scatter [tilespmem:s16], [sflag:$0x1], $0x3400, $0x38;
	[tilespmem:$0x11FD0] =	vst v63  }
0x24: {  	_ =	swait.ge [sflag:s17], $0x3400  }
0x25: {  	[sflag:s17] =	ssyncset.done $0x0  }
0x26: {  	[sflag:s17] =	ssyncadd.s32 $0xFFFFCC00  }
0x27: {  	[spmem:s10] =	stream.linear.scatter [tilespmem:s16], [sflag:$0x1], $0x3400, $0x38;
	[tilespmem:$0x11FD0] =	vst v63  }
0x28: {  	_ =	swait.ge [sflag:s17], $0x3400  }
0x29: {  	[sflag:s17] =	ssyncset.done $0x0  }
0x2a: {  	[sflag:s17] =	ssyncadd.s32 $0xFFFFCC00  }
0x2b: {  	[spmem:s11] =	stream.linear.scatter [tilespmem:s16], [sflag:$0x1], $0x3400, $0x38;
	[tilespmem:$0x11FD0] =	vst v63  }
0x2c: {  	_ =	swait.ge [sflag:s17], $0x3400  }
0x2d: {  	[sflag:s17] =	ssyncset.done $0x0  }
0x2e: {  	[sflag:s17] =	ssyncadd.s32 $0xFFFFCC00  }
0x2f: {  	[spmem:s12] =	stream.linear.scatter [tilespmem:s16], [sflag:$0x1], $0x3400, $0x38;
	[tilespmem:$0x11FD0] =	vst v63  }
0x30: {  	_ =	swait.ge [sflag:s17], $0x3400  }
0x31: {  	[sflag:s17] =	ssyncset.done $0x0  }
0x32: {  	[sflag:s17] =	ssyncadd.s32 $0xFFFFCC00  }
0x33: {  	[spmem:s13] =	stream.linear.scatter [tilespmem:s16], [sflag:$0x1], $0x3400, $0x38;
	[tilespmem:$0x11FD0] =	vst v63  }
0x34: {  	_ =	swait.ge [sflag:s17], $0x3400  }
0x35: {  	[sflag:s17] =	ssyncset.done $0x0  }
0x36: {  	s22 =	simm.s32 @!p0 $0x2880;
	[sflag:s17] =	ssyncadd.s32 $0xFFFFCC00  }
0x37: {  	[spmem:s4] =	stream.linear.scatter @!p0 [tilespmem:s22], [sflag:$0x1], $0x800, $0x38;
	[tilespmem:$0x11FD0] =	vst v63  }
0x38: {  	s22 =	simm.s32 @!p0 $0x1  }
0x39: {  	_ =	swait.ge @!p0 [sflag:s22], $0x800  }
0x3a: {  	[sflag:s22] =	ssyncset.done @!p0 $0x0  }
0x3b: {  	[sflag:s22] =	ssyncadd.s32 @!p0 $0xFFFFF800  }
0x3c: {  	s31 =	sadd.s32 $0x0, s15;
	[bflag:$0x0] =	sbarrier.arrive $0xFFFF  }
0x3d: {  	[tilespmem:s3], [sflag:$0x1] =	stream.linear.gather [hbm4b:s31+s3], $0x50, $0x38;
	[tilespmem:$0x11FD0] =	vst v63  }
0x3e: {  	_ =	swait.ge [sflag:s17], $0x50  }
0x3f: {  	[sflag:s17] =	ssyncset.done $0x0  }
0x40: {  	[sflag:s17] =	ssyncadd.s32 $0xFFFFFFB0  }
0x41: {  	[tilespmem:s18], [sflag:$0x1] =	stream.linear.gather [hbm4b:s14+s3], $0x2800, $0x38;
	[tilespmem:$0x11FD0] =	vst v63  }
0x42: {  	_ =	swait.ge [sflag:s17], $0x2800  }
0x43: {  	[sflag:s17] =	ssyncset.done $0x0  }
0x44: {  	[sflag:s17] =	ssyncadd.s32 $0xFFFFD800  }
0x45: {  	[spmem:s1] =	stream.indirect.scatter.add.f32 [tilespmem:s18], [sflag:$0x1], $0x50, s3, s19, $0xb8;
	[tilespmem:$0x11FD0] =	vst v63  }
0x46: {  	s23 =	simm.s32 $0xA;
	_ =	swait.ge [sflag:s17], $0x1900  }
0x47: {  	s24 =	simm.s32 $0x14;
	s22 =	sadd.s32 $0x500, s14;
	[sflag:s17] =	ssyncset.done $0x0  }
.LBB2_4:
0x48: {  	s25 =	sadd.s32 s23, s15  }
0x49: {  	[sflag:s17] =	ssyncadd.s32 $0xFFFFE700;
	s23 =	smov.u32 s24;
	s26 =	sadd.s32 $0xA, s24  }
0x4a: {  	[tilespmem:s3], [sflag:$0x1] =	stream.linear.gather [hbm4b:s25+s3], $0x50, $0x38;
	[tilespmem:$0x11FD0] =	vst v63  }
0x4b: {  	p1 =	sne.s32 s24, $0x4D8;
	_ =	swait.ge [sflag:s17], $0x50  }
0x4c: {  	[sflag:s17] =	ssyncset.done $0x0  }
0x4d: {  	[sflag:s17] =	ssyncadd.s32 $0xFFFFFFB0  }
0x4e: {  	[tilespmem:s18], [sflag:$0x1] =	stream.linear.gather [hbm4b:s22+s3], $0x2800, $0x38;
	[tilespmem:$0x11FD0] =	vst v63  }
0x4f: {  	_ =	swait.ge [sflag:s17], $0x2800  }
.Ltmp1:
0x50: {  	[sflag:s17] =	ssyncset.done $0x0;
	(pc) =	sbr.rel @p1 .LBB2_4-.Ltmp1, $4  }
0x51: {  	[sflag:s17] =	ssyncadd.s32 $0xFFFFD800  }
0x52: {  	[spmem:s1] =	stream.indirect.scatter.add.f32 [tilespmem:s18], [sflag:$0x1], $0x50, s3, s19, $0xb8;
	[tilespmem:$0x11FD0] =	vst v63  }
0x53: {  	_ =	swait.ge [sflag:s17], $0x1900  }
0x54: {  	s24 =	smov.u32 s26;
	s22 =	sadd.s32 $0x500, s22;
	[sflag:s17] =	ssyncset.done $0x0  }
0x55: {  	s23 =	sadd.s32 s23, s15;
	[sflag:s17] =	ssyncadd.s32 $0xFFFFE700  }
0x56: {  	[tilespmem:s3], [sflag:$0x1] =	stream.linear.gather [hbm4b:s23+s3], $0x50, $0x38;
	[tilespmem:$0x11FD0] =	vst v63  }
0x57: {  	_ =	swait.ge [sflag:s17], $0x50  }
0x58: {  	[sflag:s17] =	ssyncset.done $0x0  }
0x59: {  	[sflag:s17] =	ssyncadd.s32 $0xFFFFFFB0  }
0x5a: {  	[tilespmem:s18], [sflag:$0x1] =	stream.linear.gather [hbm4b:s22+s3], $0x2800, $0x38;
	[tilespmem:$0x11FD0] =	vst v63  }
0x5b: {  	_ =	swait.ge [sflag:s17], $0x2800  }
0x5c: {  	[sflag:s17] =	ssyncset.done $0x0  }
0x5d: {  	[sflag:s17] =	ssyncadd.s32 $0xFFFFD800  }
0x5e: {  	[spmem:s1] =	stream.indirect.scatter.add.f32 [tilespmem:s18], [sflag:$0x1], $0x50, s3, s19, $0xb8;
	[tilespmem:$0x11FD0] =	vst v63  }
0x5f: {  	_ =	swait.ge [sflag:s17], $0x1900  }
0x60: {  	[sflag:s17] =	ssyncset.done $0x0  }
0x61: {  	[sflag:s17] =	ssyncadd.s32 $0xFFFFE700  }
0x62: {  	s31 =	sshrl.u32 s6, $0x3;
	[bflag:$0x0] =	sbarrier.arrive $0xFFFF  }
0x63: {  	[hbm:s5], [sflag:s20] =	dma.local [spmem:s31], $0x2700  }
0x64: {  	_ =	swait.ge [sflag:s17], $0x2700  }
0x65: {  	s21 =	sadd.s32 $0x1, s21;
	[sflag:s17] =	ssyncset.done $0x0  }
0x66: {  	p1 =	sne.s32 s21, s8;
	s22 =	sshrl.u32 @!p0 s4, $0x3;
	[sflag:s17] =	ssyncadd.s32 $0xFFFFD900  }
0x67: {  	[hbm:s7], [sflag:s20] =	dma.local @!p0 [spmem:s22], $0x100  }
.Ltmp2:
0x68: {  	_ = 	snop;
	(pc) =	sbr.rel @p1 .LBB2_1-.Ltmp2, $4  }
0x69: {  	s22 =	simm.s32 @!p0 $0x1  }
0x6a: {  	_ =	swait.ge @!p0 [sflag:s22], $0x100  }
0x6b: {  	[sflag:s22] =	ssyncset.done @!p0 $0x0  }
0x6c: {  	[sflag:s22] =	ssyncadd.s32 @!p0 $0xFFFFFF00  }
0x6d: {  	_ =	sfence.sel $0x180000  }
0x6e: {  	[bflag:$0x0] =	sbarrier.arrive $0xFFFF  }
0x6f: {  	p0 =	sne.s32 s2, $0x0;
	_ =	strace $0x9000004A  }
0x70: {  	s0 =	sadd.s32 @!p0 $0x100000, s0;
	[bflag:$0x2] =	sbarrier.arrive $0xFFFF  }
0x71: {  	[sflag:s0] =	ssyncadd.tile.s32 @!p0 $0x1;
	_ =	shalt  }
.Lfunc_end2:
_tile_overlayer_lowered:
.L_overlay_start_2:
0x72: {  	(tag) =	ssettag $0x2  }
0x73: {  	s0 =	rddreg [dreg:$0x0];
	s2 =	stileid.u32  }
0x74: {  	s1 =	rddreg [dreg:$0x1];
	p0 =	sne.s32 s2, $0x0  }
0x75: {  	s3 =	rddreg [dreg:$0x2];
	[bflag:$0x3] =	sbarrier.arrive $0xFFFF;
	s2 =	simm.s32 @!p0 $0x1C01  }
0x76: {  	[timem:s3], [sflag:s2] =	dma.local @!p0 [hbm:s0], s1  }
0x77: {  	s0 =	simm.s32 @!p0 $0x1  }
0x78: {  	_ =	swait.ge @!p0 [sflag:s0], s1  }
0x79: {  	s1 =	ssub.s32 @!p0 $0x0, s1;
	[sflag:s0] =	ssyncset.done @!p0 $0x0  }
0x7a: {  	[sflag:s0] =	ssyncadd.s32 @!p0 s1  }
0x7b: {  	[bflag:$0x3] =	sbarrier.arrive $0xFFFF  }
0x7c: {  	_ =	shalt  }

// kernel: kernel.15.cloned.1.call-start
scs
__scs_entry_jumppad:
0x0: {  	(pc) =	sbr.rel $0x88, $3  }
0x1: {  	(tag) =	ssettag $0x0;
	lr =	simm.s32 $0x1  }
0x2: {  	[smem:$0x3F97] =	sst lr;
	_ =	strace $0xD0000000  }
0x3: {  	_ = 	snop  }
0x4: {  	_ = 	snop  }
0x5: {  	_ = 	snop  }
0x6: {  	_ = 	snop  }
0x7: {  	_ = 	snop  }
__scs_overlays_trampoline_lowered:
0x8: {  	[smem:$0x3FA6] =	sst s0  }
0x9: {  	[smem:$0x3FA7] =	sst s1  }
0xa: {  	[smem:$0x3FA8] =	sst s2  }
0xb: {  	[smem:$0x3FA9] =	sst s3  }
0xc: {  	[smem:$0x3FAA] =	sst s4  }
0xd: {  	[smem:$0x3FAB] =	sst s5  }
0xe: {  	[smem:$0x3FAC] =	sst s6  }
0xf: {  	[smem:$0x3FAD] =	sst s7  }
0x10: {  	[smem:$0x3FAE] =	sst s8  }
0x11: {  	[smem:$0x3FAF] =	sst s9;
	s0 =	simm.s32 @!p0 $0x0  }
0x12: {  	s1 =	sld [smem:$0x3F95];
	s0 =	simm.s32 @p0 $0x1  }
0x13: {  	[smem:$0x3FB0] =	sst s0;
	s0 =	simm.s32 @!p1 $0x0  }
0x14: {  	s2 =	sld [smem:$0x3F94];
	s0 =	simm.s32 @p1 $0x1  }
0x15: {  	[smem:$0x3FB1] =	sst s0;
	s0 =	simm.s32 @!p2 $0x0  }
0x16: {  	s3 =	sld [smem:$0x3FDB];
	s0 =	simm.s32 @p2 $0x1  }
0x17: {  	s4 =	simm.s32 $0x1BF5;
	[smem:$0x3FB3] =	sst s0  }
0x18: {  	s0 =	sld [smem:$0x3F96];
	_ =	swait.ge [sflag:s4], $0x0  }
0x19: {  	s7 =	sld [smem:$0x3F97]  }
0x1a: {  	s8 =	sadd.s32 $0xFFFFE003, lr  }
0x1b: {  	s9 =	sadd.s32 $0xFFFFFEF7, lr;
	s5 =	simm.s32 $0xFFFFFFFF;
	p2 =	slt.u32 s8, $0xFFFFF086  }
0x1c: {  	p1 =	slt.u32 s9, $0xF7A;
	s5 =	simm.s32 @!p2 $0x0  }
0x1d: {  	s5 =	simm.s32 @p1 $0x1;
	p0 =	seq.s32 s7, s2  }
0x1e: {  	s7 =	smul.u32 @!p0 $0xF7A, s2;
	p2 =	seq.s32 @!p0 s5, $0x0  }
0x1f: {  	s9 =	smul.u32 $0xF7A, s1;
	s8 =	simm.s32 @!p0 $0x1BF5;
	p2 =	por !p2, p0  }
0x20: {  	[sflag:s8] =	ssyncset.s32 @!p0 $0xFFFFF086;
	s6 =	sadd.s32 @!p0 s3, s7;
	s7 =	simm.s32 @!p0 $0x108  }
0x21: {  	s3 =	sadd.s32 s3, s9;
	s6 =	sadd.s32 @!p0 $0x88, s6;
	s7 =	simm.s32 @p2 $0x1082  }
0x22: {  	[simem:s7], [sflag:s8] =	dma.local @!p0 [hbm:s6], $0xF7A  }
0x23: {  	s9 =	sor.u32 $0xD0000000, s2;
	s6 =	simm.s32 $0x108;
	_ =	swait.ge @!p0 [sflag:s8], $0x0  }
0x24: {  	s3 =	sadd.s32 $0x88, s3;
	s6 =	simm.s32 @!p1 $0x1082;
	[sflag:s4] =	ssyncset.s32 $0xFFFFF086  }
0x25: {  	[simem:s6], [sflag:s4] =	dma.local [hbm:s3], $0xF7A  }
0x26: {  	[smem:$0x3F97] =	sst s1;
	(tag) =	ssettag s2;
	_ =	strace s9  }
0x27: {  	s1 =	sld [smem:$0x3FA7]  }
0x28: {  	s2 =	sld [smem:$0x3FA8]  }
0x29: {  	s4 =	sld [smem:$0x3FAA]  }
0x2a: {  	p0 =	seq.s32 s5, $0x0;
	s5 =	sld [smem:$0x3FAB]  }
0x2b: {  	s6 =	sld [smem:$0x3FAC]  }
0x2c: {  	s7 =	sld [smem:$0x3FAD]  }
0x2d: {  	s3 =	simm.s32 $0x108;
	s8 =	sld [smem:$0x3FAE]  }
0x2e: {  	s3 =	simm.s32 @!p0 $0x1082;
	s9 =	sld [smem:$0x3FAF]  }
0x2f: {  	lr =	sadd.s32 s0, s3;
	s0 =	sld [smem:$0x3FA6]  }
0x30: {  	s3 =	sld [smem:$0x3FA9]  }
0x31: {  	[smem:$0x3FB2] =	sst s10  }
0x32: {  	s10 =	sld [smem:$0x3FB0];
	_ =	sdelay $0x3  }
0x33: {  	p0 =	seq.s32 s10, $0x1;
	s10 =	sld [smem:$0x3FB2];
	_ =	sdelay $0x3  }
0x34: {  	[smem:$0x3FB2] =	sst s10  }
0x35: {  	s10 =	sld [smem:$0x3FB1];
	_ =	sdelay $0x3  }
0x36: {  	p1 =	seq.s32 s10, $0x1;
	s10 =	sld [smem:$0x3FB2];
	_ =	sdelay $0x3  }
0x37: {  	[smem:$0x3FB2] =	sst s10  }
0x38: {  	s10 =	sld [smem:$0x3FB3]  }
0x39: {  	_ = 	snop;
	(pc) =	sbr.ind lr, $3  }
0x3a: {  	_ = 	snop  }
0x3b: {  	_ = 	snop  }
0x3c: {  	p2 =	seq.s32 s10, $0x1;
	s10 =	sld [smem:$0x3FB2]  }
0x3d: {  	_ =	shalt  }
0x3e: {  	_ =	shalt  }
0x3f: {  	_ =	shalt  }
0x40: {  	_ =	shalt  }
0x41: {  	_ =	shalt  }
0x42: {  	_ =	shalt  }
0x43: {  	_ =	shalt  }
0x44: {  	_ =	shalt  }
0x45: {  	_ =	shalt  }
0x46: {  	_ =	shalt  }
0x47: {  	_ =	shalt  }
0x48: {  	_ =	shalt  }
0x49: {  	_ =	shalt  }
0x4a: {  	_ =	shalt  }
0x4b: {  	_ =	shalt  }
0x4c: {  	_ =	shalt  }
0x4d: {  	_ =	shalt  }
0x4e: {  	_ =	shalt  }
0x4f: {  	_ =	shalt  }
0x50: {  	_ =	shalt  }
0x51: {  	_ =	shalt  }
0x52: {  	_ =	shalt  }
0x53: {  	_ =	shalt  }
0x54: {  	_ =	shalt  }
0x55: {  	_ =	shalt  }
0x56: {  	_ =	shalt  }
0x57: {  	_ =	shalt  }
0x58: {  	_ =	shalt  }
0x59: {  	_ =	shalt  }
0x5a: {  	_ =	shalt  }
0x5b: {  	_ =	shalt  }
0x5c: {  	_ =	shalt  }
0x5d: {  	_ =	shalt  }
0x5e: {  	_ =	shalt  }
0x5f: {  	_ =	shalt  }
0x60: {  	_ =	shalt  }
0x61: {  	_ =	shalt  }
0x62: {  	_ =	shalt  }
0x63: {  	_ =	shalt  }
0x64: {  	_ =	shalt  }
0x65: {  	_ =	shalt  }
0x66: {  	_ =	shalt  }
0x67: {  	_ =	shalt  }
0x68: {  	_ =	shalt  }
0x69: {  	_ =	shalt  }
0x6a: {  	_ =	shalt  }
0x6b: {  	_ =	shalt  }
0x6c: {  	_ =	shalt  }
0x6d: {  	_ =	shalt  }
0x6e: {  	_ =	shalt  }
0x6f: {  	_ =	shalt  }
0x70: {  	_ =	shalt  }
0x71: {  	_ =	shalt  }
0x72: {  	_ =	shalt  }
0x73: {  	_ =	shalt  }
0x74: {  	_ =	shalt  }
0x75: {  	_ =	shalt  }
0x76: {  	_ =	shalt  }
0x77: {  	_ =	shalt  }
0x78: {  	_ =	shalt  }
0x79: {  	_ =	shalt  }
0x7a: {  	_ =	shalt  }
0x7b: {  	_ =	shalt  }
0x7c: {  	_ =	shalt  }
0x7d: {  	_ =	shalt  }
0x7e: {  	_ =	shalt  }
0x7f: {  	_ =	shalt  }
0x80: {  	_ =	shalt  }
0x81: {  	_ =	shalt  }
0x82: {  	_ =	shalt  }
0x83: {  	_ =	shalt  }
0x84: {  	_ =	shalt  }
0x85: {  	_ =	shalt  }
0x86: {  	_ =	shalt  }
0x87: {  	_ =	shalt  }
.Lfunc_end0:
.L_simem_size_0:
called_computation.2_lowered:
.L_overlay_start_0:
0x88: {  	s2 =	sld [smem:$0x3FD9]  }
0x89: {  	s3 =	sld [smem:$0x3FFE];
	_ =	sdelay $0x1  }
0x8a: {  	s1 =	srdreg.scid  }
0x8b: {  	s0 =	sand.u32 $0x1, s1  }
0x8c: {  	s17 =	sshll.u32 s0, $0xA;
	s2 =	sadd.s32 s3, s2  }
0x8d: {  	s2 =	sadd.s32 s2, s17  }
0x8e: {  	[smem:$0x3FBE] =	sst s2  }
0x8f: {  	_ = 	snop  }
0x90: {  	s2 =	sld [smem:$0x3FD0];
	(tm) =	ssettm $0x1  }
0x91: {  	s18 =	sld [smem:$0x3FFB];
	_ =	sdelay $0x3  }
0x92: {  	_ =	strace s18  }
0x93: {  	s3 =	sld [smem:$0x3FFC];
	_ =	sdelay $0x3  }
0x94: {  	_ =	strace s3  }
0x95: {  	s3 =	sld [smem:$0x3FFD];
	_ =	sdelay $0x3  }
0x96: {  	_ =	strace s3  }
0x97: {  	_ =	strace $0x8FFFFFFF  }
0x98: {  	s19 =	sld [smem:$0x3FDB];
	_ =	sdelay $0x1  }
0x99: {  	s4 =	simm.s32 $_scs_section_size  }
0x9a: {  	s5 =	simm.s32 $_size__tile_overlayer_lowered;
	s6 =	simm.s32 $_tile_overlayer_lowered  }
0x9b: {  	s22 =	simm.s32 $0x1BFF;
	s21 =	sshll.u32 s6, $0x1;
	s3 =	sadd.s32 s4, s19  }
0x9c: {  	s7 =	simm.s32 $0x0;
	s20 =	sshll.u32 s5, $0x1;
	s5 =	sadd.s32 s21, s3  }
0x9d: {  	[timem:s7], [sflag:s22] =	dma.local [hbm:s5], s20  }
0x9e: {  	_ =	swait.ge [sflag:s22], s20  }
0x9f: {  	s4 =	ssub.s32 $0x0, s20;
	[sflag:s22] =	ssyncset.done $0x0  }
0xa0: {  	[sflag:s22] =	ssyncadd.s32 s4;
	_ =	sdelay $0x1  }
0xa1: {  	s23 =	simm.s32 $0x1B8B  }
0xa2: {  	_ =	swait.ge [sflag:s23], $0x1  }
0xa3: {  	[sflag:s23] =	ssyncset.done $0x0  }
0xa4: {  	s25 =	simm.s32 $0x1B8E;
	s24 =	sld [smem:$0x3FFE];
	[sflag:s23] =	ssyncadd.s32 $0xFFFFFFFF  }
0xa5: {  	s26 =	simm.s32 $execute0_lowered;
	[smem:$0x3FD2] =	sst s25  }
0xa6: {  	s5 =	sshll.u32 s26, $0x1;
	_ =	strace $0x8000004C;
	[dreg:$0x1] =	wrdreg $0xFFFFFFFF  }
0xa7: {  	s28 =	simm.s32 $_size_execute0_lowered;
	s3 =	sadd.s32 s3, s5;
	[dreg:$0x0] =	wrdreg $0x0  }
0xa8: {  	s5 =	sshll.u32 s28, $0x1;
	[dreg:$0x2] =	wrdreg s3  }
0xa9: {  	[dreg:$0x3] =	wrdreg s5  }
0xaa: {  	[dreg:$0x4] =	wrdreg $0xC0  }
0xab: {  	_ =	task [dreg:s7], $0x5FFFF  }
0xac: {  	[dreg:$0x1] =	wrdreg $0xFFFFFFFF  }
0xad: {  	[dreg:$0x0] =	wrdreg $0x60  }
0xae: {  	[dreg:$0x2] =	wrdreg s24  }
0xaf: {  	[dreg:$0x3] =	wrdreg s2  }
0xb0: {  	[dreg:$0x4] =	wrdreg $0x9  }
0xb1: {  	_ =	task.clear_ibuf [dreg:s7], $0x5FFFF;
	_ =	strace $0x9000004C  }
0xb2: {  	s29 =	simm.s32 $0x9;
	_ =	strace $0x8000004E  }
0xb3: {  	_ =	swait.ge [sflag:s29], $0x1  }
0xb4: {  	[sflag:s29] =	ssyncadd.s32 $0xFFFFFFFF  }
0xb5: {  	_ =	strace $0x9000004E  }
0xb6: {  	_ =	sfence  }
0xb7: {  	s30 =	sld [smem:$0x0];
	_ =	sdelay $0x2  }
0xb8: {  	s31 =	sshll.u32 s1, $0xD;
	s1 =	sshrl.u32 s1, $0x2  }
0xb9: {  	s3 =	sand.u32 $0x4000, s31;
	s1 =	sadd.s32 s1, s30  }
0xba: {  	s0 =	sor.u32 s3, s0;
	s1 =	sshll.u32 s1, $0x11  }
0xbb: {  	s0 =	sor.u32 s1, s0  }
0xbc: {  	s0 =	sadd.s32 $0x8F2B, s0  }
0xbd: {  	[sflag:s0] =	ssyncadd.remote.s32 $0x1  }
0xbe: {  	_ =	sfence.sel $0xFFFF  }
0xbf: {  	[dreg:$0x0] =	wrdreg $0xFFFFFFFF;
	(pc) =	sbr.abs _section_cstart, $3  }
0xc0: {  	[dreg:$0x1] =	wrdreg $0xFFFFFFFF  }
0xc1: {  	_ =	task.clear_ibuf [dreg:s7], $0x2FFFF;
	_ =	strace $0x9FFFFFFF  }
0xc2: {  	(tm) =	ssettm $0x7FFFFFFF  }
0xc3: {  	_ =	shalt  }
tec
execute0_lowered:
.L_overlay_start_1:
0x0: {  	(tag) =	ssettag $0x1  }
0x1: {  	s8 =	rddreg [dreg:$0x0]  }
0x2: {  	s1 =	rddreg [dreg:$0x1]  }
0x3: {  	s0 =	rddreg [dreg:$0x2]  }
0x4: {  	s2 =	simm.s32 $0x0;
	s4 =	srdreg.scid;
	s12 =	simm.s32 $0x50  }
0x5: {  	s13 =	simm.s32 $0x100;
	s14 =	simm.s32 $0x5100;
	s15 =	simm.s32 $0x80  }
0x6: {  	s16 =	simm.s32 $0x2900;
	s17 =	simm.s32 $0x1;
	s18 =	simm.s32 $0x7900  }
0x7: {  	s19 =	simm.s32 $0x0;
	[smem:$0x7FF] =	sst s2;
	s3 =	sadd.s32 $0xD000, s8  }
0x8: {  	s7 =	sand.u32 $0x1, s4;
	s5 =	sadd.s32 $0x5B400, s8;
	s6 =	sadd.s32 $0x34200, s8  }
0x9: {  	s4 =	stileid.u32;
	_ =	strace $0x8000004D;
	s9 =	ssub.s32 $0x2, s7  }
0xa: {  	s11 =	sshll.u32 s7, $0x4;
	s7 =	sadd.s32 $0x3200, s8;
	s10 =	sshrl.u32 s9, $0x1  }
0xb: {  	s8 =	sadd.s32 $0x82600, s8;
	s31 =	sor.u32 s4, s11;
	s10 =	ssub.s32 s9, s10  }
0xc: {  	s11 =	simm.s32 $0x2;
	s9 =	smul.u32 $0x2710, s31;
	s10 =	smax.u32 s10, $0x1  }
.LBB2_1:
0xd: {  	s20 =	simm.s32 $0x0  }
.LBB2_2:
0xe: {  	s21 =	smul.u32 $0x50, s20;
	_ =	sdelay $0x1  }
0xf: {  	s21 =	sadd.s32 s9, s21  }
0x10: {  	s22 =	sshrl.u32 s21, $0x3  }
0x11: {  	s24 =	simm.s32 $0x0;
	s23 =	sadd.s32 s7, s22  }
0x12: {  	[tilespmem:s24], [sflag:$0x2] =	stream.linear.gather [hbm4b:s23+s24], $0x50, $0x38;
	[tilespmem:$0xA100] =	vst v63  }
0x13: {  	_ =	swait.ge [sflag:s11], $0x50  }
0x14: {  	[sflag:s11] =	ssyncset.done $0x0  }
0x15: {  	[sflag:s11] =	ssyncadd.s32 $0xFFFFFFB0  }
0x16: {  	[tilespmem:s13], [sflag:$0x1] =	stream.indirect.gather [hbm4b:s3+s12], $0x80, s24, s12, $0xb8;
	[tilespmem:$0xA100] =	vst v63  }
0x17: {  	_ = 	snop  }
0x18: {  	[tilespmem:s14], [sflag:$0x1] =	stream.indirect.gather [hbm4b:s6+s12], $0x80, s24, s12, $0xb8;
	[tilespmem:$0xA100] =	vst v63  }
0x19: {  	s22 =	sadd.s32 s1, s22  }
0x1a: {  	[tilespmem:s15], [sflag:$0x2] =	stream.linear.gather [hbm4b:s22+s24], $0x50, $0x38;
	[tilespmem:$0xA100] =	vst v63  }
0x1b: {  	_ =	swait.ge [sflag:s11], $0x50  }
0x1c: {  	[sflag:s11] =	ssyncset.done $0x0  }
0x1d: {  	[sflag:s11] =	ssyncadd.s32 $0xFFFFFFB0  }
0x1e: {  	[tilespmem:s16], [sflag:$0x1] =	stream.indirect.gather [hbm4b:s5+s12], $0x80, s15, s12, $0xb8;
	[tilespmem:$0xA100] =	vst v63  }
0x1f: {  	_ =	swait.ge [sflag:s17], $0x2800  }
0x20: {  	[sflag:s17] =	ssyncset.done $0x0  }
0x21: {  	[sflag:s17] =	ssyncadd.s32 $0xFFFFD800  }
0x22: {  	_ =	swait.ge [sflag:s17], $0x2800  }
0x23: {  	[sflag:s17] =	ssyncset.done $0x0  }
0x24: {  	[sflag:s17] =	ssyncadd.s32 $0xFFFFD800  }
0x25: {  	_ =	swait.ge [sflag:s17], $0x2800  }
0x26: {  	[sflag:s17] =	ssyncset.done $0x0  }
0x27: {  	s23 =	simm.s32 $0x0;
	[sflag:s17] =	ssyncadd.s32 $0xFFFFD800  }
0x28: {  	v0 =	vld [tilespmem:s23+$0x140]  }
0x29: {  	v1 =	vld [tilespmem:s23+$0x2940]  }
0x2a: {  	v3 =	vld [tilespmem:s23+$0x100]  }
0x2b: {  	v4 =	vld [tilespmem:s23+$0x2900]  }
0x2c: {  	v5 =	vld [tilespmem:s23+$0x110]  }
0x2d: {  	v6 =	vld [tilespmem:s23+$0x2910]  }
0x2e: {  	v7 =	vld [tilespmem:s23+$0x120]  }
0x2f: {  	v8 =	vld [tilespmem:s23+$0x2920];
	_ =	sdelay $0x1  }
0x30: {  	v0 =	vadd.f32 v1, v0;
	_ =	sdelay $0x1  }
0x31: {  	v3 =	vadd.f32 v4, v3;
	v4 =	vadd.f32 v6, v5;
	v1 =	vmul.f32 $2.000000030e-01, v0  }
0x32: {  	v9 =	vld [tilespmem:s23+$0x130];
	v6 =	vadd.f32 v8, v7;
	vm0 =	vgt.f32 v0, $0.0e+00  }
0x33: {  	v10 =	vld [tilespmem:s23+$0x2930];
	v5 =	vmul.f32 $2.000000030e-01, v3;
	v8 =	vmul.f32 $2.000000030e-01, v4;
	v0 =	vsel vm0, v0, v1  }
0x34: {  	v11 =	vld [tilespmem:s23+$0x5100];
	vm1 =	vgt.f32 v6, $0.0e+00;
	vm0 =	vgt.f32 v3, $0.0e+00;
	v0 =	vmul.f32 $1.442695020e+00, v0  }
0x35: {  	s22 =	simm.s32 $0x80;
	v2 =	vld [tilespmem:s23+$0x5110];
	v3 =	vsel vm0, v3, v5;
	vm0 =	vgt.f32 v4, $0.0e+00;
	v5 =	vmul.f32 $2.000000030e-01, v6  }
0x36: {  	v12 =	vld [tilespmem:s22+$0x2940];
	v3 =	vmul.f32 $1.442695020e+00, v3;
	v4 =	vsel vm0, v4, v8;
	(erf) = vpow2.f32 v0  }
0x37: {  	v13 =	vld [tilespmem:s22+$0x100];
	v5 =	vsel vm1, v6, v5;
	v4 =	vmul.f32 $1.442695020e+00, v4  }
0x38: {  	v14 =	vld [tilespmem:s22+$0x2920];
	v9 =	vadd.f32 v10, v9;
	v5 =	vmul.f32 $1.442695020e+00, v5;
	(erf) = vpow2.f32 v3  }
0x39: {  	v7 =	vld [tilespmem:s22+$0x140];
	(erf) = vpow2.f32 v4  }
0x3a: {  	v17 =	vld [tilespmem:s22+$0x130];
	(erf) = vpow2.f32 v5;
	v5 =	vmul.f32 $2.000000030e-01, v9  }
0x3b: {  	v8 =	vld [tilespmem:s23+$0x5140];
	vm0 =	vgt.f32 v9, $0.0e+00  }
0x3c: {  	v6 =	vld [tilespmem:s22+$0x2900];
	v5 =	vsel vm0, v9, v5  }
0x3d: {  	v3 =	vld [tilespmem:s22+$0x110];
	v5 =	vmul.f32 $1.442695020e+00, v5  }
0x3e: {  	v7 =	vadd.f32 v12, v7;
	v4 =	vld [tilespmem:s22+$0x2910]  }
0x3f: {  	v18 =	vld [tilespmem:s22+$0x2930];
	(erf) = vpow2.f32 v5;
	v10 =	vpop (erf)  }
0x40: {  	v12 =	vld [tilespmem:s22+$0x120];
	v15 =	vmul.f32 $2.000000030e-01, v7;
	v8 =	vmul.f32 v10, v8  }
0x41: {  	v1 =	vld [tilespmem:s23+$0x5120];
	vm0 =	vgt.f32 v7, $0.0e+00;
	v9 =	vadd.f32 v6, v13  }
0x42: {  	v0 =	vld [tilespmem:s23+$0x5130];
	v10 =	vsel vm0, v7, v15;
	[tilespmem:s23+$0x7940] =	vst v8  }
0x43: {  	v13 =	vmul.f32 $2.000000030e-01, v9;
	v7 =	vadd.f32 v4, v3;
	v4 =	vmul.f32 $1.442695020e+00, v10;
	v6 =	vld [tilespmem:s22+$0x5100]  }
0x44: {  	vm0 =	vgt.f32 v9, $0.0e+00;
	v5 =	vld [tilespmem:s22+$0x5110]  }
0x45: {  	v13 =	vsel vm0, v9, v13;
	v8 =	vadd.f32 v14, v12;
	v12 =	vpop (erf);
	v3 =	vld [tilespmem:s22+$0x5120];
	(erf) = vpow2.f32 v4  }
0x46: {  	s24 =	simm.s32 $0x100;
	v10 =	vmul.f32 $2.000000030e-01, v7;
	vm0 =	vgt.f32 v7, $0.0e+00;
	v4 =	vld [tilespmem:s22+$0x5130];
	v15 =	vmul.f32 v12, v11;
	v16 =	vpop (erf)  }
0x47: {  	s25 =	simm.s32 $0x600;
	v9 =	vld [tilespmem:s24+$0x140];
	v11 =	vadd.f32 v18, v17;
	vm1 =	vgt.f32 v8, $0.0e+00;
	v12 =	vmul.f32 $2.000000030e-01, v8;
	v14 =	vpop (erf)  }
.LBB2_3:
0x48: {  	p0 =	sne.s32 s25, $0x9E00;
	v17 =	vld [tilespmem:s24+$0x2940];
	v13 =	vmul.f32 $1.442695020e+00, v13;
	v7 =	vsel vm0, v7, v10;
	[tilespmem:s23+$0x7900] =	vst v15;
	v10 =	vmul.f32 v16, v2;
	v15 =	vpop (erf)  }
0x49: {  	v18 =	vmovc v6;
	v16 =	vld [tilespmem:s24+$0x100];
	v8 =	vsel vm1, v8, v12;
	vm0 =	vgt.f32 v11, $0.0e+00;
	v12 =	vmul.f32 $2.000000030e-01, v11;
	v2 =	vmovc v5  }
0x4a: {  	v5 =	vmul.f32 $1.442695020e+00, v7;
	v6 =	vmul.f32 $1.442695020e+00, v8;
	v7 =	vld [tilespmem:s22+$0x5140];
	[tilespmem:s23+$0x7910] =	vst v10  }
0x4b: {  	v8 =	vld [tilespmem:s24+$0x2900];
	v10 =	vsel vm0, v11, v12;
	(erf) = vpow2.f32 v13;
	v11 =	vmul.f32 v14, v1;
	v1 =	vmovc v3  }
0x4c: {  	v3 =	vld [tilespmem:s24+$0x110];
	v12 =	vmul.f32 $1.442695020e+00, v10;
	(erf) = vpow2.f32 v5  }
0x4d: {  	v5 =	vld [tilespmem:s24+$0x2910];
	v9 =	vadd.f32 v17, v9;
	(erf) = vpow2.f32 v6;
	[tilespmem:s23+$0x7920] =	vst v11;
	v6 =	vmul.f32 v15, v0;
	v0 =	vmovc v4  }
0x4e: {  	v4 =	vld [tilespmem:s24+$0x120];
	(erf) = vpow2.f32 v12;
	v10 =	vpop (erf)  }
0x4f: {  	v11 =	vld [tilespmem:s24+$0x2920];
	v12 =	vmul.f32 $2.000000030e-01, v9;
	v7 =	vmul.f32 v10, v7;
	[tilespmem:s23+$0x7930] =	vst v6;
	s23 =	smov.u32 s22;
	s22 =	smov.u32 s24  }
0x50: {  	vm0 =	vgt.f32 v9, $0.0e+00;
	v13 =	vadd.f32 v8, v16;
	v14 =	vld [tilespmem:s22+$0x130]  }
0x51: {  	v17 =	vld [tilespmem:s22+$0x2930];
	v8 =	vsel vm0, v9, v12;
	[tilespmem:s23+$0x7940] =	vst v7  }
.Ltmp0:
0x52: {  	v9 =	vmul.f32 $2.000000030e-01, v13;
	v6 =	vld [tilespmem:s22+$0x5100];
	v7 =	vadd.f32 v5, v3;
	v12 =	vmul.f32 $1.442695020e+00, v8;
	(pc) =	sbr.rel @p0 .LBB2_3-.Ltmp0, $4  }
0x53: {  	vm0 =	vgt.f32 v13, $0.0e+00;
	v5 =	vld [tilespmem:s22+$0x5110]  }
0x54: {  	v10 =	vmul.f32 $2.000000030e-01, v7;
	v8 =	vadd.f32 v11, v4;
	v3 =	vld [tilespmem:s22+$0x5120];
	(erf) = vpow2.f32 v12;
	v11 =	vpop (erf)  }
0x55: {  	s24 =	sshra.s32 s25, $0x2;
	v13 =	vsel vm0, v13, v9;
	vm0 =	vgt.f32 v7, $0.0e+00;
	v4 =	vld [tilespmem:s22+$0x5130];
	v15 =	vmul.f32 v11, v18;
	v16 =	vpop (erf)  }
0x56: {  	s25 =	sadd.s32 $0x200, s25;
	v9 =	vld [tilespmem:s24+$0x140];
	vm1 =	vgt.f32 v8, $0.0e+00;
	v12 =	vmul.f32 $2.000000030e-01, v8;
	v11 =	vadd.f32 v17, v14;
	v14 =	vpop (erf)  }
0x57: {  	v17 =	vld [tilespmem:s24+$0x2940];
	[tilespmem:s23+$0x7900] =	vst v15;
	v2 =	vmul.f32 v16, v2  }
0x58: {  	v15 =	vld [tilespmem:s24+$0x100]  }
0x59: {  	v26 =	vld [tilespmem:s22+$0x5140];
	[tilespmem:s23+$0x7910] =	vst v2  }
0x5a: {  	v1 =	vmul.f32 v14, v1;
	v13 =	vmul.f32 $1.442695020e+00, v13;
	v28 =	vpop (erf);
	v2 =	vld [tilespmem:s24+$0x2900]  }
0x5b: {  	v0 =	vmul.f32 v28, v0;
	v27 =	vld [tilespmem:s24+$0x110]  }
0x5c: {  	v7 =	vsel vm0, v7, v10;
	v30 =	vmul.f32 $2.000000030e-01, v11;
	(erf) = vpow2.f32 v13;
	v18 =	vld [tilespmem:s24+$0x2910];
	[tilespmem:s23+$0x7920] =	vst v1  }
0x5d: {  	v8 =	vsel vm1, v8, v12;
	vm10 =	vgt.f32 v11, $0.0e+00;
	v7 =	vmul.f32 $1.442695020e+00, v7;
	v29 =	vld [tilespmem:s24+$0x120]  }
0x5e: {  	v32 =	vmul.f32 $1.442695020e+00, v8;
	v33 =	vsel vm10, v11, v30;
	v31 =	vld [tilespmem:s24+$0x2920];
	[tilespmem:s23+$0x7930] =	vst v0;
	v9 =	vadd.f32 v17, v9  }
0x5f: {  	(erf) = vpow2.f32 v7;
	v8 =	vmul.f32 $1.442695020e+00, v33;
	v35 =	vld [tilespmem:s24+$0x130]  }
0x60: {  	(erf) = vpow2.f32 v32;
	v36 =	vld [tilespmem:s24+$0x2930];
	v34 =	vmul.f32 $2.000000030e-01, v9  }
0x61: {  	(erf) = vpow2.f32 v8;
	v39 =	vpop (erf);
	vm11 =	vgt.f32 v9, $0.0e+00;
	v37 =	vadd.f32 v2, v15  }
0x62: {  	v8 =	vmul.f32 v39, v26;
	v40 =	vadd.f32 v18, v27;
	v38 =	vsel vm11, v9, v34  }
0x63: {  	v1 =	vadd.f32 v31, v29;
	v2 =	vmul.f32 $1.442695020e+00, v38;
	v41 =	vmul.f32 $2.000000030e-01, v37  }
0x64: {  	vm12 =	vgt.f32 v37, $0.0e+00;
	v42 =	vmul.f32 $2.000000030e-01, v40;
	vm13 =	vgt.f32 v40, $0.0e+00  }
0x65: {  	v7 =	vadd.f32 v36, v35;
	v43 =	vpop (erf);
	vm14 =	vgt.f32 v1, $0.0e+00;
	v44 =	vmul.f32 $2.000000030e-01, v1  }
0x66: {  	(erf) = vpow2.f32 v2;
	v0 =	vsel vm12, v37, v41;
	v2 =	vmul.f32 v43, v6  }
0x67: {  	v45 =	vsel vm13, v40, v42;
	v46 =	vmul.f32 $2.000000030e-01, v7;
	v0 =	vmul.f32 $1.442695020e+00, v0  }
0x68: {  	[tilespmem:s22+$0x7940] =	vst v8;
	vm15 =	vgt.f32 v7, $0.0e+00;
	v1 =	vsel vm14, v1, v44;
	v48 =	vmul.f32 $1.442695020e+00, v45  }
0x69: {  	v47 =	vld [tilespmem:s24+$0x5100];
	v1 =	vmul.f32 $1.442695020e+00, v1;
	v7 =	vsel vm15, v7, v46;
	(erf) = vpow2.f32 v0  }
0x6a: {  	v49 =	vld [tilespmem:s24+$0x5110];
	v7 =	vmul.f32 $1.442695020e+00, v7;
	(erf) = vpow2.f32 v48  }
0x6b: {  	v50 =	vld [tilespmem:s24+$0x5120];
	(erf) = vpow2.f32 v1  }
0x6c: {  	v51 =	vld [tilespmem:s24+$0x5130];
	[tilespmem:s22+$0x7900] =	vst v2;
	(erf) = vpow2.f32 v7  }
0x6d: {  	v52 =	vld [tilespmem:s24+$0x5140]  }
0x6e: {  	v53 =	vpop (erf)  }
0x6f: {  	v54 =	vpop (erf);
	v2 =	vmul.f32 v53, v5  }
0x70: {  	v3 =	vmul.f32 v54, v3;
	v55 =	vpop (erf)  }
0x71: {  	[tilespmem:s22+$0x7910] =	vst v2;
	v56 =	vmul.f32 v55, v4;
	v57 =	vpop (erf)  }
0x72: {  	[tilespmem:s22+$0x7920] =	vst v3;
	v1 =	vmul.f32 v57, v52;
	v58 =	vpop (erf)  }
0x73: {  	[tilespmem:s22+$0x7930] =	vst v56;
	v59 =	vmul.f32 v58, v47;
	v60 =	vpop (erf)  }
0x74: {  	[tilespmem:s24+$0x7940] =	vst v1;
	v61 =	vpop (erf);
	v3 =	vmul.f32 v60, v49  }
0x75: {  	[tilespmem:s24+$0x7900] =	vst v59;
	v62 =	vpop (erf);
	v0 =	vmul.f32 v61, v50  }
0x76: {  	s20 =	sadd.s32 $0x1, s20;
	[tilespmem:s24+$0x7910] =	vst v3;
	v63 =	vmul.f32 v62, v51  }
0x77: {  	s21 =	sshll.u32 s21, $0x4;
	p0 =	sne.s32 s20, $0x7D;
	[tilespmem:s24+$0x7920] =	vst v0  }
.Ltmp1:
0x78: {  	s21 =	sadd.s32 s8, s21;
	[tilespmem:s24+$0x7930] =	vst v63;
	(pc) =	sbr.rel @p0 .LBB2_2-.Ltmp1, $4  }
0x79: {  	[hbm4b:s21+s2] =	stream.linear.scatter [tilespmem:s18], [sflag:$0x2], $0x2800, $0x38;
	[tilespmem:$0xA100] =	vst v63  }
0x7a: {  	_ =	swait.ge [sflag:s11], $0x2800  }
0x7b: {  	[sflag:s11] =	ssyncset.done $0x0  }
0x7c: {  	[sflag:s11] =	ssyncadd.s32 $0xFFFFD800  }
0x7d: {  	s19 =	sadd.s32 $0x1, s19  }
0x7e: {  	p0 =	sne.s32 s19, s10  }
.Ltmp2:
0x7f: {  	_ = 	snop;
	(pc) =	sbr.rel @p0 .LBB2_1-.Ltmp2, $1  }
0x80: {  	_ =	sdelay $0x3  }
0x81: {  	_ =	sfence.sel $0x180000  }
0x82: {  	[bflag:$0x0] =	sbarrier.arrive $0xFFFF  }
0x83: {  	p0 =	sne.s32 s4, $0x0;
	_ =	strace $0x9000004D  }
0x84: {  	s0 =	sadd.s32 @!p0 $0x100000, s0;
	[bflag:$0x2] =	sbarrier.arrive $0xFFFF  }
0x85: {  	[sflag:s0] =	ssyncadd.tile.s32 @!p0 $0x1;
	_ =	shalt  }
.Lfunc_end2:
_tile_overlayer_lowered:
.L_overlay_start_2:
0x86: {  	(tag) =	ssettag $0x2  }
0x87: {  	s0 =	rddreg [dreg:$0x0];
	s2 =	stileid.u32  }
0x88: {  	s1 =	rddreg [dreg:$0x1];
	p0 =	sne.s32 s2, $0x0  }
0x89: {  	s3 =	rddreg [dreg:$0x2];
	[bflag:$0x3] =	sbarrier.arrive $0xFFFF;
	s2 =	simm.s32 @!p0 $0x1C02  }
0x8a: {  	[timem:s3], [sflag:s2] =	dma.local @!p0 [hbm:s0], s1  }
0x8b: {  	s0 =	simm.s32 @!p0 $0x2  }
0x8c: {  	_ =	swait.ge @!p0 [sflag:s0], s1  }
0x8d: {  	s1 =	ssub.s32 @!p0 $0x0, s1;
	[sflag:s0] =	ssyncset.done @!p0 $0x0  }
0x8e: {  	[sflag:s0] =	ssyncadd.s32 @!p0 s1  }
0x8f: {  	[bflag:$0x3] =	sbarrier.arrive $0xFFFF  }
0x90: {  	_ =	shalt  }

// kernel: kernel.18.cloned.1.call-start
scs
__scs_entry_jumppad:
0x0: {  	(pc) =	sbr.rel $0x88, $3  }
0x1: {  	(tag) =	ssettag $0x0;
	lr =	simm.s32 $0x1  }
0x2: {  	[smem:$0x3F97] =	sst lr;
	_ =	strace $0xD0000000  }
0x3: {  	_ = 	snop  }
0x4: {  	_ = 	snop  }
0x5: {  	_ = 	snop  }
0x6: {  	_ = 	snop  }
0x7: {  	_ = 	snop  }
__scs_overlays_trampoline_lowered:
0x8: {  	[smem:$0x3FA6] =	sst s0  }
0x9: {  	[smem:$0x3FA7] =	sst s1  }
0xa: {  	[smem:$0x3FA8] =	sst s2  }
0xb: {  	[smem:$0x3FA9] =	sst s3  }
0xc: {  	[smem:$0x3FAA] =	sst s4  }
0xd: {  	[smem:$0x3FAB] =	sst s5  }
0xe: {  	[smem:$0x3FAC] =	sst s6  }
0xf: {  	[smem:$0x3FAD] =	sst s7  }
0x10: {  	[smem:$0x3FAE] =	sst s8  }
0x11: {  	[smem:$0x3FAF] =	sst s9;
	s0 =	simm.s32 @!p0 $0x0  }
0x12: {  	s1 =	sld [smem:$0x3F95];
	s0 =	simm.s32 @p0 $0x1  }
0x13: {  	[smem:$0x3FB0] =	sst s0;
	s0 =	simm.s32 @!p1 $0x0  }
0x14: {  	s2 =	sld [smem:$0x3F94];
	s0 =	simm.s32 @p1 $0x1  }
0x15: {  	[smem:$0x3FB1] =	sst s0;
	s0 =	simm.s32 @!p2 $0x0  }
0x16: {  	s3 =	sld [smem:$0x3FDB];
	s0 =	simm.s32 @p2 $0x1  }
0x17: {  	s4 =	simm.s32 $0x1BF5;
	[smem:$0x3FB3] =	sst s0  }
0x18: {  	s0 =	sld [smem:$0x3F96];
	_ =	swait.ge [sflag:s4], $0x0  }
0x19: {  	s7 =	sld [smem:$0x3F97]  }
0x1a: {  	s8 =	sadd.s32 $0xFFFFE003, lr  }
0x1b: {  	s9 =	sadd.s32 $0xFFFFFEF7, lr;
	s5 =	simm.s32 $0xFFFFFFFF;
	p2 =	slt.u32 s8, $0xFFFFF086  }
0x1c: {  	p1 =	slt.u32 s9, $0xF7A;
	s5 =	simm.s32 @!p2 $0x0  }
0x1d: {  	s5 =	simm.s32 @p1 $0x1;
	p0 =	seq.s32 s7, s2  }
0x1e: {  	s7 =	smul.u32 @!p0 $0xF7A, s2;
	p2 =	seq.s32 @!p0 s5, $0x0  }
0x1f: {  	s9 =	smul.u32 $0xF7A, s1;
	s8 =	simm.s32 @!p0 $0x1BF5;
	p2 =	por !p2, p0  }
0x20: {  	[sflag:s8] =	ssyncset.s32 @!p0 $0xFFFFF086;
	s6 =	sadd.s32 @!p0 s3, s7;
	s7 =	simm.s32 @!p0 $0x108  }
0x21: {  	s3 =	sadd.s32 s3, s9;
	s6 =	sadd.s32 @!p0 $0x88, s6;
	s7 =	simm.s32 @p2 $0x1082  }
0x22: {  	[simem:s7], [sflag:s8] =	dma.local @!p0 [hbm:s6], $0xF7A  }
0x23: {  	s9 =	sor.u32 $0xD0000000, s2;
	s6 =	simm.s32 $0x108;
	_ =	swait.ge @!p0 [sflag:s8], $0x0  }
0x24: {  	s3 =	sadd.s32 $0x88, s3;
	s6 =	simm.s32 @!p1 $0x1082;
	[sflag:s4] =	ssyncset.s32 $0xFFFFF086  }
0x25: {  	[simem:s6], [sflag:s4] =	dma.local [hbm:s3], $0xF7A  }
0x26: {  	[smem:$0x3F97] =	sst s1;
	(tag) =	ssettag s2;
	_ =	strace s9  }
0x27: {  	s1 =	sld [smem:$0x3FA7]  }
0x28: {  	s2 =	sld [smem:$0x3FA8]  }
0x29: {  	s4 =	sld [smem:$0x3FAA]  }
0x2a: {  	p0 =	seq.s32 s5, $0x0;
	s5 =	sld [smem:$0x3FAB]  }
0x2b: {  	s6 =	sld [smem:$0x3FAC]  }
0x2c: {  	s7 =	sld [smem:$0x3FAD]  }
0x2d: {  	s3 =	simm.s32 $0x108;
	s8 =	sld [smem:$0x3FAE]  }
0x2e: {  	s3 =	simm.s32 @!p0 $0x1082;
	s9 =	sld [smem:$0x3FAF]  }
0x2f: {  	lr =	sadd.s32 s0, s3;
	s0 =	sld [smem:$0x3FA6]  }
0x30: {  	s3 =	sld [smem:$0x3FA9]  }
0x31: {  	[smem:$0x3FB2] =	sst s10  }
0x32: {  	s10 =	sld [smem:$0x3FB0];
	_ =	sdelay $0x3  }
0x33: {  	p0 =	seq.s32 s10, $0x1;
	s10 =	sld [smem:$0x3FB2];
	_ =	sdelay $0x3  }
0x34: {  	[smem:$0x3FB2] =	sst s10  }
0x35: {  	s10 =	sld [smem:$0x3FB1];
	_ =	sdelay $0x3  }
0x36: {  	p1 =	seq.s32 s10, $0x1;
	s10 =	sld [smem:$0x3FB2];
	_ =	sdelay $0x3  }
0x37: {  	[smem:$0x3FB2] =	sst s10  }
0x38: {  	s10 =	sld [smem:$0x3FB3]  }
0x39: {  	_ = 	snop;
	(pc) =	sbr.ind lr, $3  }
0x3a: {  	_ = 	snop  }
0x3b: {  	_ = 	snop  }
0x3c: {  	p2 =	seq.s32 s10, $0x1;
	s10 =	sld [smem:$0x3FB2]  }
0x3d: {  	_ =	shalt  }
0x3e: {  	_ =	shalt  }
0x3f: {  	_ =	shalt  }
0x40: {  	_ =	shalt  }
0x41: {  	_ =	shalt  }
0x42: {  	_ =	shalt  }
0x43: {  	_ =	shalt  }
0x44: {  	_ =	shalt  }
0x45: {  	_ =	shalt  }
0x46: {  	_ =	shalt  }
0x47: {  	_ =	shalt  }
0x48: {  	_ =	shalt  }
0x49: {  	_ =	shalt  }
0x4a: {  	_ =	shalt  }
0x4b: {  	_ =	shalt  }
0x4c: {  	_ =	shalt  }
0x4d: {  	_ =	shalt  }
0x4e: {  	_ =	shalt  }
0x4f: {  	_ =	shalt  }
0x50: {  	_ =	shalt  }
0x51: {  	_ =	shalt  }
0x52: {  	_ =	shalt  }
0x53: {  	_ =	shalt  }
0x54: {  	_ =	shalt  }
0x55: {  	_ =	shalt  }
0x56: {  	_ =	shalt  }
0x57: {  	_ =	shalt  }
0x58: {  	_ =	shalt  }
0x59: {  	_ =	shalt  }
0x5a: {  	_ =	shalt  }
0x5b: {  	_ =	shalt  }
0x5c: {  	_ =	shalt  }
0x5d: {  	_ =	shalt  }
0x5e: {  	_ =	shalt  }
0x5f: {  	_ =	shalt  }
0x60: {  	_ =	shalt  }
0x61: {  	_ =	shalt  }
0x62: {  	_ =	shalt  }
0x63: {  	_ =	shalt  }
0x64: {  	_ =	shalt  }
0x65: {  	_ =	shalt  }
0x66: {  	_ =	shalt  }
0x67: {  	_ =	shalt  }
0x68: {  	_ =	shalt  }
0x69: {  	_ =	shalt  }
0x6a: {  	_ =	shalt  }
0x6b: {  	_ =	shalt  }
0x6c: {  	_ =	shalt  }
0x6d: {  	_ =	shalt  }
0x6e: {  	_ =	shalt  }
0x6f: {  	_ =	shalt  }
0x70: {  	_ =	shalt  }
0x71: {  	_ =	shalt  }
0x72: {  	_ =	shalt  }
0x73: {  	_ =	shalt  }
0x74: {  	_ =	shalt  }
0x75: {  	_ =	shalt  }
0x76: {  	_ =	shalt  }
0x77: {  	_ =	shalt  }
0x78: {  	_ =	shalt  }
0x79: {  	_ =	shalt  }
0x7a: {  	_ =	shalt  }
0x7b: {  	_ =	shalt  }
0x7c: {  	_ =	shalt  }
0x7d: {  	_ =	shalt  }
0x7e: {  	_ =	shalt  }
0x7f: {  	_ =	shalt  }
0x80: {  	_ =	shalt  }
0x81: {  	_ =	shalt  }
0x82: {  	_ =	shalt  }
0x83: {  	_ =	shalt  }
0x84: {  	_ =	shalt  }
0x85: {  	_ =	shalt  }
0x86: {  	_ =	shalt  }
0x87: {  	_ =	shalt  }
.Lfunc_end0:
.L_simem_size_0:
called_computation.3_lowered:
.L_overlay_start_0:
0x88: {  	s2 =	sld [smem:$0x3FD9]  }
0x89: {  	s3 =	sld [smem:$0x3FFE];
	_ =	sdelay $0x1  }
0x8a: {  	s1 =	srdreg.scid  }
0x8b: {  	s0 =	sand.u32 $0x1, s1  }
0x8c: {  	s17 =	sshll.u32 s0, $0xA;
	s2 =	sadd.s32 s3, s2  }
0x8d: {  	s2 =	sadd.s32 s2, s17  }
0x8e: {  	[smem:$0x3FBE] =	sst s2  }
0x8f: {  	_ = 	snop  }
0x90: {  	s2 =	sld [smem:$0x3FD0];
	(tm) =	ssettm $0x1  }
0x91: {  	s18 =	sld [smem:$0x3FFB];
	_ =	sdelay $0x3  }
0x92: {  	_ =	strace s18  }
0x93: {  	s3 =	sld [smem:$0x3FFC];
	_ =	sdelay $0x3  }
0x94: {  	_ =	strace s3  }
0x95: {  	s3 =	sld [smem:$0x3FFD];
	_ =	sdelay $0x3  }
0x96: {  	_ =	strace s3  }
0x97: {  	_ =	strace $0x8FFFFFFF  }
0x98: {  	s19 =	sld [smem:$0x3FDB];
	_ =	sdelay $0x1  }
0x99: {  	s4 =	simm.s32 $_scs_section_size  }
0x9a: {  	s5 =	simm.s32 $_size__tile_overlayer_lowered;
	s6 =	simm.s32 $_tile_overlayer_lowered  }
0x9b: {  	s22 =	simm.s32 $0x1BFF;
	s21 =	sshll.u32 s6, $0x1;
	s3 =	sadd.s32 s4, s19  }
0x9c: {  	s7 =	simm.s32 $0x0;
	s20 =	sshll.u32 s5, $0x1;
	s5 =	sadd.s32 s21, s3  }
0x9d: {  	[timem:s7], [sflag:s22] =	dma.local [hbm:s5], s20  }
0x9e: {  	_ =	swait.ge [sflag:s22], s20  }
0x9f: {  	s4 =	ssub.s32 $0x0, s20;
	[sflag:s22] =	ssyncset.done $0x0  }
0xa0: {  	[sflag:s22] =	ssyncadd.s32 s4;
	_ =	sdelay $0x1  }
0xa1: {  	s23 =	simm.s32 $0x1B8B  }
0xa2: {  	_ =	swait.ge [sflag:s23], $0x1  }
0xa3: {  	[sflag:s23] =	ssyncset.done $0x0  }
0xa4: {  	s25 =	simm.s32 $0x1B8E;
	s24 =	sld [smem:$0x3FFE];
	[sflag:s23] =	ssyncadd.s32 $0xFFFFFFFF  }
0xa5: {  	s26 =	simm.s32 $execute0_lowered;
	[smem:$0x3FD2] =	sst s25  }
0xa6: {  	s5 =	sshll.u32 s26, $0x1;
	_ =	strace $0x8000004F;
	[dreg:$0x1] =	wrdreg $0xFFFFFFFF  }
0xa7: {  	s28 =	simm.s32 $_size_execute0_lowered;
	s3 =	sadd.s32 s3, s5;
	[dreg:$0x0] =	wrdreg $0x0  }
0xa8: {  	s5 =	sshll.u32 s28, $0x1;
	[dreg:$0x2] =	wrdreg s3  }
0xa9: {  	[dreg:$0x3] =	wrdreg s5  }
0xaa: {  	[dreg:$0x4] =	wrdreg $0xC0  }
0xab: {  	_ =	task [dreg:s7], $0x5FFFF  }
0xac: {  	[dreg:$0x1] =	wrdreg $0xFFFFFFFF  }
0xad: {  	[dreg:$0x0] =	wrdreg $0x60  }
0xae: {  	[dreg:$0x2] =	wrdreg s24  }
0xaf: {  	[dreg:$0x3] =	wrdreg s2  }
0xb0: {  	[dreg:$0x4] =	wrdreg $0x5C800  }
0xb1: {  	[dreg:$0x5] =	wrdreg $0x9  }
0xb2: {  	_ =	task.clear_ibuf [dreg:s7], $0x6FFFF;
	_ =	strace $0x9000004F  }
0xb3: {  	s29 =	simm.s32 $0x9;
	_ =	strace $0x80000051  }
0xb4: {  	_ =	swait.ge [sflag:s29], $0x1  }
0xb5: {  	[sflag:s29] =	ssyncadd.s32 $0xFFFFFFFF  }
0xb6: {  	_ =	strace $0x90000051  }
0xb7: {  	_ =	sfence  }
0xb8: {  	s30 =	sld [smem:$0x0];
	_ =	sdelay $0x2  }
0xb9: {  	s31 =	sshll.u32 s1, $0xD;
	s1 =	sshrl.u32 s1, $0x2  }
0xba: {  	s3 =	sand.u32 $0x4000, s31;
	s1 =	sadd.s32 s1, s30  }
0xbb: {  	s0 =	sor.u32 s3, s0;
	s1 =	sshll.u32 s1, $0x11  }
0xbc: {  	s0 =	sor.u32 s1, s0  }
0xbd: {  	s0 =	sadd.s32 $0x8F2B, s0  }
0xbe: {  	[sflag:s0] =	ssyncadd.remote.s32 $0x1  }
0xbf: {  	_ =	sfence.sel $0xFFFF  }
0xc0: {  	[dreg:$0x0] =	wrdreg $0xFFFFFFFF;
	(pc) =	sbr.abs _section_cstart, $3  }
0xc1: {  	[dreg:$0x1] =	wrdreg $0xFFFFFFFF  }
0xc2: {  	_ =	task.clear_ibuf [dreg:s7], $0x2FFFF;
	_ =	strace $0x9FFFFFFF  }
0xc3: {  	(tm) =	ssettm $0x7FFFFFFF  }
tec
execute0_lowered:
.L_overlay_start_1:
0x0: {  	(tag) =	ssettag $0x1  }
0x1: {  	s4 =	rddreg [dreg:$0x0]  }
0x2: {  	s15 =	rddreg [dreg:$0x1];
	s0 =	srdreg.scid  }
0x3: {  	s1 =	rddreg [dreg:$0x2];
	s2 =	stileid.u32  }
0x4: {  	s3 =	simm.s32 $0x0;
	s18 =	simm.s32 $0x80;
	s8 =	smul.u32 $0x13800, s2  }
0x5: {  	s19 =	simm.s32 $0x50;
	s21 =	simm.s32 $0x0;
	s10 =	smul.u32 $0x4E000, s2  }
0x6: {  	s7 =	sand.u32 $0x1, s0;
	s0 =	rddreg [dreg:$0x3];
	s14 =	smul.u32 $0x27100, s2  }
0x7: {  	[smem:$0x7FF] =	sst s3;
	s9 =	sadd.s32 $0x2E00, s4;
	s17 =	smul.u32 $0x2710, s2  }
0x8: {  	p0 =	sne.s32 s2, $0xF;
	s20 =	sshll.u32 s2, $0x6;
	s5 =	smul.u32 $0x271000, s7  }
0x9: {  	s6 =	smul.u32 $0x138800, s7;
	_ =	strace $0x80000050;
	s29 =	ssub.s32 $0x2, s7  }
0xa: {  	s16 =	smul.u32 $0x27100, s7;
	s20 =	sor.u32 $0x1C01, s20;
	s31 =	sshrl.u32 s29, $0x1  }
0xb: {  	s10 =	sshrl.u32 s10, $0x2;
	s13 =	sadd.s32 s5, s4;
	s30 =	sadd.s32 s8, s6  }
0xc: {  	s8 =	ssub.s32 s29, s31;
	s4 =	sadd.s32 $0x138000, s1;
	s11 =	sshrl.u32 s6, $0x3  }
0xd: {  	s6 =	sadd.s32 s10, s1;
	s16 =	sadd.s32 s17, s16;
	s17 =	simm.s32 $0x1  }
0xe: {  	s5 =	sshrl.u32 s30, $0x3;
	s8 =	smax.u32 s8, $0x1;
	s10 =	sadd.s32 $0x6800, s6  }
0xf: {  	s12 =	sadd.s32 $0xD000, s6;
	s14 =	sadd.s32 s14, s13;
	s13 =	sadd.s32 $0x10400, s6  }
0x10: {  	s16 =	sshrl.u32 s16, $0x3;
	s5 =	sadd.s32 s9, s5;
	s9 =	sadd.s32 s9, s11  }
0x11: {  	s11 =	sadd.s32 $0x9C00, s6;
	s14 =	sadd.s32 $0x82600, s14;
	s15 =	sadd.s32 s16, s15  }
0x12: {  	v0 =	vimm.f32 $0.0e+00;
	s16 =	simm.s32 $0x2880;
	s7 =	sadd.s32 $0x27000, s9;
	s9 =	sadd.s32 $0x3400, s6  }
.LBB2_1:
0x13: {  	s23 =	simm.s32 $0x200;
	s22 =	simm.s32 $0x0  }
.LBB2_2:
0x14: {  	p1 =	sne.s32 s23, $0xCE00;
	[tilespmem:s22+$0x28C0] =	vst v0;
	s24 =	smov.u32 s23;
	s23 =	sadd.s32 $0x200, s23  }
.Ltmp0:
0x15: {  	[tilespmem:s22+$0x28B0] =	vst v0;
	(pc) =	sbr.rel @p1 .LBB2_2-.Ltmp0, $4  }
0x16: {  	[tilespmem:s22+$0x28A0] =	vst v0  }
0x17: {  	[tilespmem:s22+$0x2880] =	vst v0  }
0x18: {  	[tilespmem:s22+$0x2890] =	vst v0  }
0x19: {  	s22 =	sshra.s32 s24, $0x2  }
0x1a: {  	[tilespmem:s22+$0x28C0] =	vst v0  }
0x1b: {  	[tilespmem:s22+$0x28B0] =	vst v0  }
0x1c: {  	[tilespmem:s22+$0x28A0] =	vst v0  }
0x1d: {  	[tilespmem:s22+$0x2880] =	vst v0  }
0x1e: {  	[tilespmem:s22+$0x2890] =	vst v0  }
0x1f: {  	[spmem:s6] =	stream.linear.scatter [tilespmem:s16], [sflag:$0x1], $0x3400, $0x38;
	[tilespmem:$0x11FD0] =	vst v63  }
0x20: {  	_ =	swait.ge [sflag:s17], $0x3400  }
0x21: {  	[sflag:s17] =	ssyncset.done $0x0  }
0x22: {  	[sflag:s17] =	ssyncadd.s32 $0xFFFFCC00  }
0x23: {  	[spmem:s9] =	stream.linear.scatter [tilespmem:s16], [sflag:$0x1], $0x3400, $0x38;
	[tilespmem:$0x11FD0] =	vst v63  }
0x24: {  	_ =	swait.ge [sflag:s17], $0x3400  }
0x25: {  	[sflag:s17] =	ssyncset.done $0x0  }
0x26: {  	[sflag:s17] =	ssyncadd.s32 $0xFFFFCC00  }
0x27: {  	[spmem:s10] =	stream.linear.scatter [tilespmem:s16], [sflag:$0x1], $0x3400, $0x38;
	[tilespmem:$0x11FD0] =	vst v63  }
0x28: {  	_ =	swait.ge [sflag:s17], $0x3400  }
0x29: {  	[sflag:s17] =	ssyncset.done $0x0  }
0x2a: {  	[sflag:s17] =	ssyncadd.s32 $0xFFFFCC00  }
0x2b: {  	[spmem:s11] =	stream.linear.scatter [tilespmem:s16], [sflag:$0x1], $0x3400, $0x38;
	[tilespmem:$0x11FD0] =	vst v63  }
0x2c: {  	_ =	swait.ge [sflag:s17], $0x3400  }
0x2d: {  	[sflag:s17] =	ssyncset.done $0x0  }
0x2e: {  	[sflag:s17] =	ssyncadd.s32 $0xFFFFCC00  }
0x2f: {  	[spmem:s12] =	stream.linear.scatter [tilespmem:s16], [sflag:$0x1], $0x3400, $0x38;
	[tilespmem:$0x11FD0] =	vst v63  }
0x30: {  	_ =	swait.ge [sflag:s17], $0x3400  }
0x31: {  	[sflag:s17] =	ssyncset.done $0x0  }
0x32: {  	[sflag:s17] =	ssyncadd.s32 $0xFFFFCC00  }
0x33: {  	[spmem:s13] =	stream.linear.scatter [tilespmem:s16], [sflag:$0x1], $0x3400, $0x38;
	[tilespmem:$0x11FD0] =	vst v63  }
0x34: {  	_ =	swait.ge [sflag:s17], $0x3400  }
0x35: {  	[sflag:s17] =	ssyncset.done $0x0  }
0x36: {  	s22 =	simm.s32 @!p0 $0x2880;
	[sflag:s17] =	ssyncadd.s32 $0xFFFFCC00  }
0x37: {  	[spmem:s4] =	stream.linear.scatter @!p0 [tilespmem:s22], [sflag:$0x1], $0x800, $0x38;
	[tilespmem:$0x11FD0] =	vst v63  }
0x38: {  	s22 =	simm.s32 @!p0 $0x1  }
0x39: {  	_ =	swait.ge @!p0 [sflag:s22], $0x800  }
0x3a: {  	[sflag:s22] =	ssyncset.done @!p0 $0x0  }
0x3b: {  	[sflag:s22] =	ssyncadd.s32 @!p0 $0xFFFFF800  }
0x3c: {  	s31 =	sadd.s32 $0x0, s15;
	[bflag:$0x0] =	sbarrier.arrive $0xFFFF  }
0x3d: {  	[tilespmem:s3], [sflag:$0x1] =	stream.linear.gather [hbm4b:s31+s3], $0x50, $0x38;
	[tilespmem:$0x11FD0] =	vst v63  }
0x3e: {  	_ =	swait.ge [sflag:s17], $0x50  }
0x3f: {  	[sflag:s17] =	ssyncset.done $0x0  }
0x40: {  	[sflag:s17] =	ssyncadd.s32 $0xFFFFFFB0  }
0x41: {  	[tilespmem:s18], [sflag:$0x1] =	stream.linear.gather [hbm4b:s14+s3], $0x2800, $0x38;
	[tilespmem:$0x11FD0] =	vst v63  }
0x42: {  	_ =	swait.ge [sflag:s17], $0x2800  }
0x43: {  	[sflag:s17] =	ssyncset.done $0x0  }
0x44: {  	[sflag:s17] =	ssyncadd.s32 $0xFFFFD800  }
0x45: {  	[spmem:s1] =	stream.indirect.scatter.add.f32 [tilespmem:s18], [sflag:$0x1], $0x50, s3, s19, $0xb8;
	[tilespmem:$0x11FD0] =	vst v63  }
0x46: {  	s23 =	simm.s32 $0xA;
	_ =	swait.ge [sflag:s17], $0x1900  }
0x47: {  	s24 =	simm.s32 $0x14;
	s22 =	sadd.s32 $0x500, s14;
	[sflag:s17] =	ssyncset.done $0x0  }
.LBB2_4:
0x48: {  	s25 =	sadd.s32 s23, s15  }
0x49: {  	[sflag:s17] =	ssyncadd.s32 $0xFFFFE700;
	s23 =	smov.u32 s24;
	s26 =	sadd.s32 $0xA, s24  }
0x4a: {  	[tilespmem:s3], [sflag:$0x1] =	stream.linear.gather [hbm4b:s25+s3], $0x50, $0x38;
	[tilespmem:$0x11FD0] =	vst v63  }
0x4b: {  	p1 =	sne.s32 s24, $0x4D8;
	_ =	swait.ge [sflag:s17], $0x50  }
0x4c: {  	[sflag:s17] =	ssyncset.done $0x0  }
0x4d: {  	[sflag:s17] =	ssyncadd.s32 $0xFFFFFFB0  }
0x4e: {  	[tilespmem:s18], [sflag:$0x1] =	stream.linear.gather [hbm4b:s22+s3], $0x2800, $0x38;
	[tilespmem:$0x11FD0] =	vst v63  }
0x4f: {  	_ =	swait.ge [sflag:s17], $0x2800  }
.Ltmp1:
0x50: {  	[sflag:s17] =	ssyncset.done $0x0;
	(pc) =	sbr.rel @p1 .LBB2_4-.Ltmp1, $4  }
0x51: {  	[sflag:s17] =	ssyncadd.s32 $0xFFFFD800  }
0x52: {  	[spmem:s1] =	stream.indirect.scatter.add.f32 [tilespmem:s18], [sflag:$0x1], $0x50, s3, s19, $0xb8;
	[tilespmem:$0x11FD0] =	vst v63  }
0x53: {  	_ =	swait.ge [sflag:s17], $0x1900  }
0x54: {  	s24 =	smov.u32 s26;
	s22 =	sadd.s32 $0x500, s22;
	[sflag:s17] =	ssyncset.done $0x0  }
0x55: {  	s23 =	sadd.s32 s23, s15;
	[sflag:s17] =	ssyncadd.s32 $0xFFFFE700  }
0x56: {  	[tilespmem:s3], [sflag:$0x1] =	stream.linear.gather [hbm4b:s23+s3], $0x50, $0x38;
	[tilespmem:$0x11FD0] =	vst v63  }
0x57: {  	_ =	swait.ge [sflag:s17], $0x50  }
0x58: {  	[sflag:s17] =	ssyncset.done $0x0  }
0x59: {  	[sflag:s17] =	ssyncadd.s32 $0xFFFFFFB0  }
0x5a: {  	[tilespmem:s18], [sflag:$0x1] =	stream.linear.gather [hbm4b:s22+s3], $0x2800, $0x38;
	[tilespmem:$0x11FD0] =	vst v63  }
0x5b: {  	_ =	swait.ge [sflag:s17], $0x2800  }
0x5c: {  	[sflag:s17] =	ssyncset.done $0x0  }
0x5d: {  	[sflag:s17] =	ssyncadd.s32 $0xFFFFD800  }
0x5e: {  	[spmem:s1] =	stream.indirect.scatter.add.f32 [tilespmem:s18], [sflag:$0x1], $0x50, s3, s19, $0xb8;
	[tilespmem:$0x11FD0] =	vst v63  }
0x5f: {  	_ =	swait.ge [sflag:s17], $0x1900  }
0x60: {  	[sflag:s17] =	ssyncset.done $0x0  }
0x61: {  	[sflag:s17] =	ssyncadd.s32 $0xFFFFE700  }
0x62: {  	s31 =	sshrl.u32 s6, $0x3;
	[bflag:$0x0] =	sbarrier.arrive $0xFFFF  }
0x63: {  	[hbm:s5], [sflag:s20] =	dma.local [spmem:s31], $0x2700  }
0x64: {  	_ =	swait.ge [sflag:s17], $0x2700  }
0x65: {  	s21 =	sadd.s32 $0x1, s21;
	[sflag:s17] =	ssyncset.done $0x0  }
0x66: {  	p1 =	sne.s32 s21, s8;
	s22 =	sshrl.u32 @!p0 s4, $0x3;
	[sflag:s17] =	ssyncadd.s32 $0xFFFFD900  }
0x67: {  	[hbm:s7], [sflag:s20] =	dma.local @!p0 [spmem:s22], $0x100  }
.Ltmp2:
0x68: {  	_ = 	snop;
	(pc) =	sbr.rel @p1 .LBB2_1-.Ltmp2, $4  }
0x69: {  	s22 =	simm.s32 @!p0 $0x1  }
0x6a: {  	_ =	swait.ge @!p0 [sflag:s22], $0x100  }
0x6b: {  	[sflag:s22] =	ssyncset.done @!p0 $0x0  }
0x6c: {  	[sflag:s22] =	ssyncadd.s32 @!p0 $0xFFFFFF00  }
0x6d: {  	_ =	sfence.sel $0x180000  }
0x6e: {  	[bflag:$0x0] =	sbarrier.arrive $0xFFFF  }
0x6f: {  	p0 =	sne.s32 s2, $0x0;
	_ =	strace $0x90000050  }
0x70: {  	s0 =	sadd.s32 @!p0 $0x100000, s0;
	[bflag:$0x2] =	sbarrier.arrive $0xFFFF  }
0x71: {  	[sflag:s0] =	ssyncadd.tile.s32 @!p0 $0x1;
	_ =	shalt  }
.Lfunc_end2:
_tile_overlayer_lowered:
.L_overlay_start_2:
0x72: {  	(tag) =	ssettag $0x2  }
0x73: {  	s0 =	rddreg [dreg:$0x0];
	s2 =	stileid.u32  }
0x74: {  	s1 =	rddreg [dreg:$0x1];
	p0 =	sne.s32 s2, $0x0  }
0x75: {  	s3 =	rddreg [dreg:$0x2];
	[bflag:$0x3] =	sbarrier.arrive $0xFFFF;
	s2 =	simm.s32 @!p0 $0x1C01  }
0x76: {  	[timem:s3], [sflag:s2] =	dma.local @!p0 [hbm:s0], s1  }
0x77: {  	s0 =	simm.s32 @!p0 $0x1  }
0x78: {  	_ =	swait.ge @!p0 [sflag:s0], s1  }
0x79: {  	s1 =	ssub.s32 @!p0 $0x0, s1;
	[sflag:s0] =	ssyncset.done @!p0 $0x0  }
0x7a: {  	[sflag:s0] =	ssyncadd.s32 @!p0 s1  }
0x7b: {  	[bflag:$0x3] =	sbarrier.arrive $0xFFFF  }
0x7c: {  	_ =	shalt  }

// kernel: kernel.9.cloned.1.call-start
scs
__scs_entry_jumppad:
0x0: {  	(pc) =	sbr.rel $0x88, $3  }
0x1: {  	(tag) =	ssettag $0x0;
	lr =	simm.s32 $0x1  }
0x2: {  	[smem:$0x3F97] =	sst lr;
	_ =	strace $0xD0000000  }
0x3: {  	_ = 	snop  }
0x4: {  	_ = 	snop  }
0x5: {  	_ = 	snop  }
0x6: {  	_ = 	snop  }
0x7: {  	_ = 	snop  }
__scs_overlays_trampoline_lowered:
0x8: {  	[smem:$0x3FA6] =	sst s0  }
0x9: {  	[smem:$0x3FA7] =	sst s1  }
0xa: {  	[smem:$0x3FA8] =	sst s2  }
0xb: {  	[smem:$0x3FA9] =	sst s3  }
0xc: {  	[smem:$0x3FAA] =	sst s4  }
0xd: {  	[smem:$0x3FAB] =	sst s5  }
0xe: {  	[smem:$0x3FAC] =	sst s6  }
0xf: {  	[smem:$0x3FAD] =	sst s7  }
0x10: {  	[smem:$0x3FAE] =	sst s8  }
0x11: {  	[smem:$0x3FAF] =	sst s9;
	s0 =	simm.s32 @!p0 $0x0  }
0x12: {  	s1 =	sld [smem:$0x3F95];
	s0 =	simm.s32 @p0 $0x1  }
0x13: {  	[smem:$0x3FB0] =	sst s0;
	s0 =	simm.s32 @!p1 $0x0  }
0x14: {  	s2 =	sld [smem:$0x3F94];
	s0 =	simm.s32 @p1 $0x1  }
0x15: {  	[smem:$0x3FB1] =	sst s0;
	s0 =	simm.s32 @!p2 $0x0  }
0x16: {  	s3 =	sld [smem:$0x3FDB];
	s0 =	simm.s32 @p2 $0x1  }
0x17: {  	s4 =	simm.s32 $0x1BF5;
	[smem:$0x3FB3] =	sst s0  }
0x18: {  	s0 =	sld [smem:$0x3F96];
	_ =	swait.ge [sflag:s4], $0x0  }
0x19: {  	s7 =	sld [smem:$0x3F97]  }
0x1a: {  	s8 =	sadd.s32 $0xFFFFE003, lr  }
0x1b: {  	s9 =	sadd.s32 $0xFFFFFEF7, lr;
	s5 =	simm.s32 $0xFFFFFFFF;
	p2 =	slt.u32 s8, $0xFFFFF086  }
0x1c: {  	p1 =	slt.u32 s9, $0xF7A;
	s5 =	simm.s32 @!p2 $0x0  }
0x1d: {  	s5 =	simm.s32 @p1 $0x1;
	p0 =	seq.s32 s7, s2  }
0x1e: {  	s7 =	smul.u32 @!p0 $0xF7A, s2;
	p2 =	seq.s32 @!p0 s5, $0x0  }
0x1f: {  	s9 =	smul.u32 $0xF7A, s1;
	s8 =	simm.s32 @!p0 $0x1BF5;
	p2 =	por !p2, p0  }
0x20: {  	[sflag:s8] =	ssyncset.s32 @!p0 $0xFFFFF086;
	s6 =	sadd.s32 @!p0 s3, s7;
	s7 =	simm.s32 @!p0 $0x108  }
0x21: {  	s3 =	sadd.s32 s3, s9;
	s6 =	sadd.s32 @!p0 $0x88, s6;
	s7 =	simm.s32 @p2 $0x1082  }
0x22: {  	[simem:s7], [sflag:s8] =	dma.local @!p0 [hbm:s6], $0xF7A  }
0x23: {  	s9 =	sor.u32 $0xD0000000, s2;
	s6 =	simm.s32 $0x108;
	_ =	swait.ge @!p0 [sflag:s8], $0x0  }
0x24: {  	s3 =	sadd.s32 $0x88, s3;
	s6 =	simm.s32 @!p1 $0x1082;
	[sflag:s4] =	ssyncset.s32 $0xFFFFF086  }
0x25: {  	[simem:s6], [sflag:s4] =	dma.local [hbm:s3], $0xF7A  }
0x26: {  	[smem:$0x3F97] =	sst s1;
	(tag) =	ssettag s2;
	_ =	strace s9  }
0x27: {  	s1 =	sld [smem:$0x3FA7]  }
0x28: {  	s2 =	sld [smem:$0x3FA8]  }
0x29: {  	s4 =	sld [smem:$0x3FAA]  }
0x2a: {  	p0 =	seq.s32 s5, $0x0;
	s5 =	sld [smem:$0x3FAB]  }
0x2b: {  	s6 =	sld [smem:$0x3FAC]  }
0x2c: {  	s7 =	sld [smem:$0x3FAD]  }
0x2d: {  	s3 =	simm.s32 $0x108;
	s8 =	sld [smem:$0x3FAE]  }
0x2e: {  	s3 =	simm.s32 @!p0 $0x1082;
	s9 =	sld [smem:$0x3FAF]  }
0x2f: {  	lr =	sadd.s32 s0, s3;
	s0 =	sld [smem:$0x3FA6]  }
0x30: {  	s3 =	sld [smem:$0x3FA9]  }
0x31: {  	[smem:$0x3FB2] =	sst s10  }
0x32: {  	s10 =	sld [smem:$0x3FB0];
	_ =	sdelay $0x3  }
0x33: {  	p0 =	seq.s32 s10, $0x1;
	s10 =	sld [smem:$0x3FB2];
	_ =	sdelay $0x3  }
0x34: {  	[smem:$0x3FB2] =	sst s10  }
0x35: {  	s10 =	sld [smem:$0x3FB1];
	_ =	sdelay $0x3  }
0x36: {  	p1 =	seq.s32 s10, $0x1;
	s10 =	sld [smem:$0x3FB2];
	_ =	sdelay $0x3  }
0x37: {  	[smem:$0x3FB2] =	sst s10  }
0x38: {  	s10 =	sld [smem:$0x3FB3]  }
0x39: {  	_ = 	snop;
	(pc) =	sbr.ind lr, $3  }
0x3a: {  	_ = 	snop  }
0x3b: {  	_ = 	snop  }
0x3c: {  	p2 =	seq.s32 s10, $0x1;
	s10 =	sld [smem:$0x3FB2]  }
0x3d: {  	_ =	shalt  }
0x3e: {  	_ =	shalt  }
0x3f: {  	_ =	shalt  }
0x40: {  	_ =	shalt  }
0x41: {  	_ =	shalt  }
0x42: {  	_ =	shalt  }
0x43: {  	_ =	shalt  }
0x44: {  	_ =	shalt  }
0x45: {  	_ =	shalt  }
0x46: {  	_ =	shalt  }
0x47: {  	_ =	shalt  }
0x48: {  	_ =	shalt  }
0x49: {  	_ =	shalt  }
0x4a: {  	_ =	shalt  }
0x4b: {  	_ =	shalt  }
0x4c: {  	_ =	shalt  }
0x4d: {  	_ =	shalt  }
0x4e: {  	_ =	shalt  }
0x4f: {  	_ =	shalt  }
0x50: {  	_ =	shalt  }
0x51: {  	_ =	shalt  }
0x52: {  	_ =	shalt  }
0x53: {  	_ =	shalt  }
0x54: {  	_ =	shalt  }
0x55: {  	_ =	shalt  }
0x56: {  	_ =	shalt  }
0x57: {  	_ =	shalt  }
0x58: {  	_ =	shalt  }
0x59: {  	_ =	shalt  }
0x5a: {  	_ =	shalt  }
0x5b: {  	_ =	shalt  }
0x5c: {  	_ =	shalt  }
0x5d: {  	_ =	shalt  }
0x5e: {  	_ =	shalt  }
0x5f: {  	_ =	shalt  }
0x60: {  	_ =	shalt  }
0x61: {  	_ =	shalt  }
0x62: {  	_ =	shalt  }
0x63: {  	_ =	shalt  }
0x64: {  	_ =	shalt  }
0x65: {  	_ =	shalt  }
0x66: {  	_ =	shalt  }
0x67: {  	_ =	shalt  }
0x68: {  	_ =	shalt  }
0x69: {  	_ =	shalt  }
0x6a: {  	_ =	shalt  }
0x6b: {  	_ =	shalt  }
0x6c: {  	_ =	shalt  }
0x6d: {  	_ =	shalt  }
0x6e: {  	_ =	shalt  }
0x6f: {  	_ =	shalt  }
0x70: {  	_ =	shalt  }
0x71: {  	_ =	shalt  }
0x72: {  	_ =	shalt  }
0x73: {  	_ =	shalt  }
0x74: {  	_ =	shalt  }
0x75: {  	_ =	shalt  }
0x76: {  	_ =	shalt  }
0x77: {  	_ =	shalt  }
0x78: {  	_ =	shalt  }
0x79: {  	_ =	shalt  }
0x7a: {  	_ =	shalt  }
0x7b: {  	_ =	shalt  }
0x7c: {  	_ =	shalt  }
0x7d: {  	_ =	shalt  }
0x7e: {  	_ =	shalt  }
0x7f: {  	_ =	shalt  }
0x80: {  	_ =	shalt  }
0x81: {  	_ =	shalt  }
0x82: {  	_ =	shalt  }
0x83: {  	_ =	shalt  }
0x84: {  	_ =	shalt  }
0x85: {  	_ =	shalt  }
0x86: {  	_ =	shalt  }
0x87: {  	_ =	shalt  }
.Lfunc_end0:
.L_simem_size_0:
called_computation_lowered:
.L_overlay_start_0:
0x88: {  	s2 =	sld [smem:$0x3FD9]  }
0x89: {  	s3 =	sld [smem:$0x3FFE];
	_ =	sdelay $0x1  }
0x8a: {  	s1 =	srdreg.scid  }
0x8b: {  	s0 =	sand.u32 $0x1, s1  }
0x8c: {  	s17 =	sshll.u32 s0, $0xA;
	s2 =	sadd.s32 s3, s2  }
0x8d: {  	s2 =	sadd.s32 s2, s17  }
0x8e: {  	[smem:$0x3FBE] =	sst s2  }
0x8f: {  	_ = 	snop  }
0x90: {  	s2 =	sld [smem:$0x3FD0];
	(tm) =	ssettm $0x1  }
0x91: {  	s18 =	sld [smem:$0x3FFB];
	_ =	sdelay $0x3  }
0x92: {  	_ =	strace s18  }
0x93: {  	s3 =	sld [smem:$0x3FFC];
	_ =	sdelay $0x3  }
0x94: {  	_ =	strace s3  }
0x95: {  	s3 =	sld [smem:$0x3FFD];
	_ =	sdelay $0x3  }
0x96: {  	_ =	strace s3  }
0x97: {  	_ =	strace $0x8FFFFFFF  }
0x98: {  	s19 =	sld [smem:$0x3FDB];
	_ =	sdelay $0x1  }
0x99: {  	s4 =	simm.s32 $_scs_section_size  }
0x9a: {  	s5 =	simm.s32 $_size__tile_overlayer_lowered;
	s6 =	simm.s32 $_tile_overlayer_lowered  }
0x9b: {  	s22 =	simm.s32 $0x1BFF;
	s21 =	sshll.u32 s6, $0x1;
	s3 =	sadd.s32 s4, s19  }
0x9c: {  	s7 =	simm.s32 $0x0;
	s20 =	sshll.u32 s5, $0x1;
	s5 =	sadd.s32 s21, s3  }
0x9d: {  	[timem:s7], [sflag:s22] =	dma.local [hbm:s5], s20  }
0x9e: {  	_ =	swait.ge [sflag:s22], s20  }
0x9f: {  	s4 =	ssub.s32 $0x0, s20;
	[sflag:s22] =	ssyncset.done $0x0  }
0xa0: {  	[sflag:s22] =	ssyncadd.s32 s4;
	_ =	sdelay $0x1  }
0xa1: {  	s23 =	simm.s32 $0x1B8B  }
0xa2: {  	_ =	swait.ge [sflag:s23], $0x1  }
0xa3: {  	[sflag:s23] =	ssyncset.done $0x0  }
0xa4: {  	s25 =	simm.s32 $0x1B8E;
	s24 =	sld [smem:$0x3FFE];
	[sflag:s23] =	ssyncadd.s32 $0xFFFFFFFF  }
0xa5: {  	s26 =	simm.s32 $execute0_lowered;
	[smem:$0x3FD2] =	sst s25  }
0xa6: {  	s5 =	sshll.u32 s26, $0x1;
	_ =	strace $0x80000046;
	[dreg:$0x1] =	wrdreg $0xFFFFFFFF  }
0xa7: {  	s28 =	simm.s32 $_size_execute0_lowered;
	s3 =	sadd.s32 s3, s5;
	[dreg:$0x0] =	wrdreg $0x0  }
0xa8: {  	s5 =	sshll.u32 s28, $0x1;
	[dreg:$0x2] =	wrdreg s3  }
0xa9: {  	[dreg:$0x3] =	wrdreg s5  }
0xaa: {  	[dreg:$0x4] =	wrdreg $0xC0  }
0xab: {  	_ =	task [dreg:s7], $0x5FFFF  }
0xac: {  	[dreg:$0x1] =	wrdreg $0xFFFFFFFF  }
0xad: {  	[dreg:$0x0] =	wrdreg $0x60  }
0xae: {  	[dreg:$0x2] =	wrdreg s24  }
0xaf: {  	[dreg:$0x3] =	wrdreg s2  }
0xb0: {  	[dreg:$0x4] =	wrdreg $0x9  }
0xb1: {  	_ =	task.clear_ibuf [dreg:s7], $0x5FFFF;
	_ =	strace $0x90000046  }
0xb2: {  	s29 =	simm.s32 $0x9;
	_ =	strace $0x80000048  }
0xb3: {  	_ =	swait.ge [sflag:s29], $0x1  }
0xb4: {  	[sflag:s29] =	ssyncadd.s32 $0xFFFFFFFF  }
0xb5: {  	_ =	strace $0x90000048  }
0xb6: {  	_ =	sfence  }
0xb7: {  	s30 =	sld [smem:$0x0];
	_ =	sdelay $0x2  }
0xb8: {  	s31 =	sshll.u32 s1, $0xD;
	s1 =	sshrl.u32 s1, $0x2  }
0xb9: {  	s3 =	sand.u32 $0x4000, s31;
	s1 =	sadd.s32 s1, s30  }
0xba: {  	s0 =	sor.u32 s3, s0;
	s1 =	sshll.u32 s1, $0x11  }
0xbb: {  	s0 =	sor.u32 s1, s0  }
0xbc: {  	s0 =	sadd.s32 $0x8F2B, s0  }
0xbd: {  	[sflag:s0] =	ssyncadd.remote.s32 $0x1  }
0xbe: {  	_ =	sfence.sel $0xFFFF  }
0xbf: {  	[dreg:$0x0] =	wrdreg $0xFFFFFFFF;
	(pc) =	sbr.abs _section_cstart, $3  }
0xc0: {  	[dreg:$0x1] =	wrdreg $0xFFFFFFFF  }
0xc1: {  	_ =	task.clear_ibuf [dreg:s7], $0x2FFFF;
	_ =	strace $0x9FFFFFFF  }
0xc2: {  	(tm) =	ssettm $0x7FFFFFFF  }
0xc3: {  	_ =	shalt  }
tec
execute0_lowered:
.L_overlay_start_1:
0x0: {  	(tag) =	ssettag $0x1  }
0x1: {  	s8 =	rddreg [dreg:$0x0]  }
0x2: {  	s1 =	rddreg [dreg:$0x1]  }
0x3: {  	s0 =	rddreg [dreg:$0x2]  }
0x4: {  	s2 =	simm.s32 $0x0;
	s4 =	srdreg.scid;
	s12 =	simm.s32 $0x50  }
0x5: {  	s13 =	simm.s32 $0x100;
	s14 =	simm.s32 $0x5100;
	s15 =	simm.s32 $0x80  }
0x6: {  	s16 =	simm.s32 $0x2900;
	s17 =	simm.s32 $0x1;
	s18 =	simm.s32 $0x7900  }
0x7: {  	s19 =	simm.s32 $0x0;
	[smem:$0x7FF] =	sst s2;
	s3 =	sadd.s32 $0xD000, s8  }
0x8: {  	s7 =	sand.u32 $0x1, s4;
	s5 =	sadd.s32 $0x5B400, s8;
	s6 =	sadd.s32 $0x34200, s8  }
0x9: {  	s4 =	stileid.u32;
	_ =	strace $0x80000047;
	s9 =	ssub.s32 $0x2, s7  }
0xa: {  	s11 =	sshll.u32 s7, $0x4;
	s7 =	sadd.s32 $0x3200, s8;
	s10 =	sshrl.u32 s9, $0x1  }
0xb: {  	s8 =	sadd.s32 $0x82600, s8;
	s31 =	sor.u32 s4, s11;
	s10 =	ssub.s32 s9, s10  }
0xc: {  	s11 =	simm.s32 $0x2;
	s9 =	smul.u32 $0x2710, s31;
	s10 =	smax.u32 s10, $0x1  }
.LBB2_1:
0xd: {  	s20 =	simm.s32 $0x0  }
.LBB2_2:
0xe: {  	s21 =	smul.u32 $0x50, s20;
	_ =	sdelay $0x1  }
0xf: {  	s21 =	sadd.s32 s9, s21  }
0x10: {  	s22 =	sshrl.u32 s21, $0x3  }
0x11: {  	s24 =	simm.s32 $0x0;
	s23 =	sadd.s32 s7, s22  }
0x12: {  	[tilespmem:s24], [sflag:$0x2] =	stream.linear.gather [hbm4b:s23+s24], $0x50, $0x38;
	[tilespmem:$0xA100] =	vst v63  }
0x13: {  	_ =	swait.ge [sflag:s11], $0x50  }
0x14: {  	[sflag:s11] =	ssyncset.done $0x0  }
0x15: {  	[sflag:s11] =	ssyncadd.s32 $0xFFFFFFB0  }
0x16: {  	[tilespmem:s13], [sflag:$0x1] =	stream.indirect.gather [hbm4b:s3+s12], $0x80, s24, s12, $0xb8;
	[tilespmem:$0xA100] =	vst v63  }
0x17: {  	_ = 	snop  }
0x18: {  	[tilespmem:s14], [sflag:$0x1] =	stream.indirect.gather [hbm4b:s6+s12], $0x80, s24, s12, $0xb8;
	[tilespmem:$0xA100] =	vst v63  }
0x19: {  	s22 =	sadd.s32 s1, s22  }
0x1a: {  	[tilespmem:s15], [sflag:$0x2] =	stream.linear.gather [hbm4b:s22+s24], $0x50, $0x38;
	[tilespmem:$0xA100] =	vst v63  }
0x1b: {  	_ =	swait.ge [sflag:s11], $0x50  }
0x1c: {  	[sflag:s11] =	ssyncset.done $0x0  }
0x1d: {  	[sflag:s11] =	ssyncadd.s32 $0xFFFFFFB0  }
0x1e: {  	[tilespmem:s16], [sflag:$0x1] =	stream.indirect.gather [hbm4b:s5+s12], $0x80, s15, s12, $0xb8;
	[tilespmem:$0xA100] =	vst v63  }
0x1f: {  	_ =	swait.ge [sflag:s17], $0x2800  }
0x20: {  	[sflag:s17] =	ssyncset.done $0x0  }
0x21: {  	[sflag:s17] =	ssyncadd.s32 $0xFFFFD800  }
0x22: {  	_ =	swait.ge [sflag:s17], $0x2800  }
0x23: {  	[sflag:s17] =	ssyncset.done $0x0  }
0x24: {  	[sflag:s17] =	ssyncadd.s32 $0xFFFFD800  }
0x25: {  	_ =	swait.ge [sflag:s17], $0x2800  }
0x26: {  	[sflag:s17] =	ssyncset.done $0x0  }
0x27: {  	s23 =	simm.s32 $0x0;
	[sflag:s17] =	ssyncadd.s32 $0xFFFFD800  }
0x28: {  	v0 =	vld [tilespmem:s23+$0x140]  }
0x29: {  	v1 =	vld [tilespmem:s23+$0x2940]  }
0x2a: {  	v3 =	vld [tilespmem:s23+$0x100]  }
0x2b: {  	v4 =	vld [tilespmem:s23+$0x2900]  }
0x2c: {  	v5 =	vld [tilespmem:s23+$0x110]  }
0x2d: {  	v6 =	vld [tilespmem:s23+$0x2910]  }
0x2e: {  	v7 =	vld [tilespmem:s23+$0x120]  }
0x2f: {  	v8 =	vld [tilespmem:s23+$0x2920];
	_ =	sdelay $0x1  }
0x30: {  	v0 =	vadd.f32 v1, v0;
	_ =	sdelay $0x1  }
0x31: {  	v3 =	vadd.f32 v4, v3;
	v4 =	vadd.f32 v6, v5;
	v1 =	vmul.f32 $2.000000030e-01, v0  }
0x32: {  	v9 =	vld [tilespmem:s23+$0x130];
	v6 =	vadd.f32 v8, v7;
	vm0 =	vgt.f32 v0, $0.0e+00  }
0x33: {  	v10 =	vld [tilespmem:s23+$0x2930];
	v5 =	vmul.f32 $2.000000030e-01, v3;
	v8 =	vmul.f32 $2.000000030e-01, v4;
	v0 =	vsel vm0, v0, v1  }
0x34: {  	v11 =	vld [tilespmem:s23+$0x5100];
	vm1 =	vgt.f32 v6, $0.0e+00;
	vm0 =	vgt.f32 v3, $0.0e+00;
	v0 =	vmul.f32 $1.442695020e+00, v0  }
0x35: {  	s22 =	simm.s32 $0x80;
	v2 =	vld [tilespmem:s23+$0x5110];
	v3 =	vsel vm0, v3, v5;
	vm0 =	vgt.f32 v4, $0.0e+00;
	v5 =	vmul.f32 $2.000000030e-01, v6  }
0x36: {  	v12 =	vld [tilespmem:s22+$0x2940];
	v3 =	vmul.f32 $1.442695020e+00, v3;
	v4 =	vsel vm0, v4, v8;
	(erf) = vpow2.f32 v0  }
0x37: {  	v13 =	vld [tilespmem:s22+$0x100];
	v5 =	vsel vm1, v6, v5;
	v4 =	vmul.f32 $1.442695020e+00, v4  }
0x38: {  	v14 =	vld [tilespmem:s22+$0x2920];
	v9 =	vadd.f32 v10, v9;
	v5 =	vmul.f32 $1.442695020e+00, v5;
	(erf) = vpow2.f32 v3  }
0x39: {  	v7 =	vld [tilespmem:s22+$0x140];
	(erf) = vpow2.f32 v4  }
0x3a: {  	v17 =	vld [tilespmem:s22+$0x130];
	(erf) = vpow2.f32 v5;
	v5 =	vmul.f32 $2.000000030e-01, v9  }
0x3b: {  	v8 =	vld [tilespmem:s23+$0x5140];
	vm0 =	vgt.f32 v9, $0.0e+00  }
0x3c: {  	v6 =	vld [tilespmem:s22+$0x2900];
	v5 =	vsel vm0, v9, v5  }
0x3d: {  	v3 =	vld [tilespmem:s22+$0x110];
	v5 =	vmul.f32 $1.442695020e+00, v5  }
0x3e: {  	v7 =	vadd.f32 v12, v7;
	v4 =	vld [tilespmem:s22+$0x2910]  }
0x3f: {  	v18 =	vld [tilespmem:s22+$0x2930];
	(erf) = vpow2.f32 v5;
	v10 =	vpop (erf)  }
0x40: {  	v12 =	vld [tilespmem:s22+$0x120];
	v15 =	vmul.f32 $2.000000030e-01, v7;
	v8 =	vmul.f32 v10, v8  }
0x41: {  	v1 =	vld [tilespmem:s23+$0x5120];
	vm0 =	vgt.f32 v7, $0.0e+00;
	v9 =	vadd.f32 v6, v13  }
0x42: {  	v0 =	vld [tilespmem:s23+$0x5130];
	v10 =	vsel vm0, v7, v15;
	[tilespmem:s23+$0x7940] =	vst v8  }
0x43: {  	v13 =	vmul.f32 $2.000000030e-01, v9;
	v7 =	vadd.f32 v4, v3;
	v4 =	vmul.f32 $1.442695020e+00, v10;
	v6 =	vld [tilespmem:s22+$0x5100]  }
0x44: {  	vm0 =	vgt.f32 v9, $0.0e+00;
	v5 =	vld [tilespmem:s22+$0x5110]  }
0x45: {  	v13 =	vsel vm0, v9, v13;
	v8 =	vadd.f32 v14, v12;
	v12 =	vpop (erf);
	v3 =	vld [tilespmem:s22+$0x5120];
	(erf) = vpow2.f32 v4  }
0x46: {  	s24 =	simm.s32 $0x100;
	v10 =	vmul.f32 $2.000000030e-01, v7;
	vm0 =	vgt.f32 v7, $0.0e+00;
	v4 =	vld [tilespmem:s22+$0x5130];
	v15 =	vmul.f32 v12, v11;
	v16 =	vpop (erf)  }
0x47: {  	s25 =	simm.s32 $0x600;
	v9 =	vld [tilespmem:s24+$0x140];
	v11 =	vadd.f32 v18, v17;
	vm1 =	vgt.f32 v8, $0.0e+00;
	v12 =	vmul.f32 $2.000000030e-01, v8;
	v14 =	vpop (erf)  }
.LBB2_3:
0x48: {  	p0 =	sne.s32 s25, $0x9E00;
	v17 =	vld [tilespmem:s24+$0x2940];
	v13 =	vmul.f32 $1.442695020e+00, v13;
	v7 =	vsel vm0, v7, v10;
	[tilespmem:s23+$0x7900] =	vst v15;
	v10 =	vmul.f32 v16, v2;
	v15 =	vpop (erf)  }
0x49: {  	v18 =	vmovc v6;
	v16 =	vld [tilespmem:s24+$0x100];
	v8 =	vsel vm1, v8, v12;
	vm0 =	vgt.f32 v11, $0.0e+00;
	v12 =	vmul.f32 $2.000000030e-01, v11;
	v2 =	vmovc v5  }
0x4a: {  	v5 =	vmul.f32 $1.442695020e+00, v7;
	v6 =	vmul.f32 $1.442695020e+00, v8;
	v7 =	vld [tilespmem:s22+$0x5140];
	[tilespmem:s23+$0x7910] =	vst v10  }
0x4b: {  	v8 =	vld [tilespmem:s24+$0x2900];
	v10 =	vsel vm0, v11, v12;
	(erf) = vpow2.f32 v13;
	v11 =	vmul.f32 v14, v1;
	v1 =	vmovc v3  }
0x4c: {  	v3 =	vld [tilespmem:s24+$0x110];
	v12 =	vmul.f32 $1.442695020e+00, v10;
	(erf) = vpow2.f32 v5  }
0x4d: {  	v5 =	vld [tilespmem:s24+$0x2910];
	v9 =	vadd.f32 v17, v9;
	(erf) = vpow2.f32 v6;
	[tilespmem:s23+$0x7920] =	vst v11;
	v6 =	vmul.f32 v15, v0;
	v0 =	vmovc v4  }
0x4e: {  	v4 =	vld [tilespmem:s24+$0x120];
	(erf) = vpow2.f32 v12;
	v10 =	vpop (erf)  }
0x4f: {  	v11 =	vld [tilespmem:s24+$0x2920];
	v12 =	vmul.f32 $2.000000030e-01, v9;
	v7 =	vmul.f32 v10, v7;
	[tilespmem:s23+$0x7930] =	vst v6;
	s23 =	smov.u32 s22;
	s22 =	smov.u32 s24  }
0x50: {  	vm0 =	vgt.f32 v9, $0.0e+00;
	v13 =	vadd.f32 v8, v16;
	v14 =	vld [tilespmem:s22+$0x130]  }
0x51: {  	v17 =	vld [tilespmem:s22+$0x2930];
	v8 =	vsel vm0, v9, v12;
	[tilespmem:s23+$0x7940] =	vst v7  }
.Ltmp0:
0x52: {  	v9 =	vmul.f32 $2.000000030e-01, v13;
	v6 =	vld [tilespmem:s22+$0x5100];
	v7 =	vadd.f32 v5, v3;
	v12 =	vmul.f32 $1.442695020e+00, v8;
	(pc) =	sbr.rel @p0 .LBB2_3-.Ltmp0, $4  }
0x53: {  	vm0 =	vgt.f32 v13, $0.0e+00;
	v5 =	vld [tilespmem:s22+$0x5110]  }
0x54: {  	v10 =	vmul.f32 $2.000000030e-01, v7;
	v8 =	vadd.f32 v11, v4;
	v3 =	vld [tilespmem:s22+$0x5120];
	(erf) = vpow2.f32 v12;
	v11 =	vpop (erf)  }
0x55: {  	s24 =	sshra.s32 s25, $0x2;
	v13 =	vsel vm0, v13, v9;
	vm0 =	vgt.f32 v7, $0.0e+00;
	v4 =	vld [tilespmem:s22+$0x5130];
	v15 =	vmul.f32 v11, v18;
	v16 =	vpop (erf)  }
0x56: {  	s25 =	sadd.s32 $0x200, s25;
	v9 =	vld [tilespmem:s24+$0x140];
	vm1 =	vgt.f32 v8, $0.0e+00;
	v12 =	vmul.f32 $2.000000030e-01, v8;
	v11 =	vadd.f32 v17, v14;
	v14 =	vpop (erf)  }
0x57: {  	v17 =	vld [tilespmem:s24+$0x2940];
	[tilespmem:s23+$0x7900] =	vst v15;
	v2 =	vmul.f32 v16, v2  }
0x58: {  	v15 =	vld [tilespmem:s24+$0x100]  }
0x59: {  	v26 =	vld [tilespmem:s22+$0x5140];
	[tilespmem:s23+$0x7910] =	vst v2  }
0x5a: {  	v1 =	vmul.f32 v14, v1;
	v13 =	vmul.f32 $1.442695020e+00, v13;
	v28 =	vpop (erf);
	v2 =	vld [tilespmem:s24+$0x2900]  }
0x5b: {  	v0 =	vmul.f32 v28, v0;
	v27 =	vld [tilespmem:s24+$0x110]  }
0x5c: {  	v7 =	vsel vm0, v7, v10;
	v30 =	vmul.f32 $2.000000030e-01, v11;
	(erf) = vpow2.f32 v13;
	v18 =	vld [tilespmem:s24+$0x2910];
	[tilespmem:s23+$0x7920] =	vst v1  }
0x5d: {  	v8 =	vsel vm1, v8, v12;
	vm10 =	vgt.f32 v11, $0.0e+00;
	v7 =	vmul.f32 $1.442695020e+00, v7;
	v29 =	vld [tilespmem:s24+$0x120]  }
0x5e: {  	v32 =	vmul.f32 $1.442695020e+00, v8;
	v33 =	vsel vm10, v11, v30;
	v31 =	vld [tilespmem:s24+$0x2920];
	[tilespmem:s23+$0x7930] =	vst v0;
	v9 =	vadd.f32 v17, v9  }
0x5f: {  	(erf) = vpow2.f32 v7;
	v8 =	vmul.f32 $1.442695020e+00, v33;
	v35 =	vld [tilespmem:s24+$0x130]  }
0x60: {  	(erf) = vpow2.f32 v32;
	v36 =	vld [tilespmem:s24+$0x2930];
	v34 =	vmul.f32 $2.000000030e-01, v9  }
0x61: {  	(erf) = vpow2.f32 v8;
	v39 =	vpop (erf);
	vm11 =	vgt.f32 v9, $0.0e+00;
	v37 =	vadd.f32 v2, v15  }
0x62: {  	v8 =	vmul.f32 v39, v26;
	v40 =	vadd.f32 v18, v27;
	v38 =	vsel vm11, v9, v34  }
0x63: {  	v1 =	vadd.f32 v31, v29;
	v2 =	vmul.f32 $1.442695020e+00, v38;
	v41 =	vmul.f32 $2.000000030e-01, v37  }
0x64: {  	vm12 =	vgt.f32 v37, $0.0e+00;
	v42 =	vmul.f32 $2.000000030e-01, v40;
	vm13 =	vgt.f32 v40, $0.0e+00  }
0x65: {  	v7 =	vadd.f32 v36, v35;
	v43 =	vpop (erf);
	vm14 =	vgt.f32 v1, $0.0e+00;
	v44 =	vmul.f32 $2.000000030e-01, v1  }
0x66: {  	(erf) = vpow2.f32 v2;
	v0 =	vsel vm12, v37, v41;
	v2 =	vmul.f32 v43, v6  }
0x67: {  	v45 =	vsel vm13, v40, v42;
	v46 =	vmul.f32 $2.000000030e-01, v7;
	v0 =	vmul.f32 $1.442695020e+00, v0  }
0x68: {  	[tilespmem:s22+$0x7940] =	vst v8;
	vm15 =	vgt.f32 v7, $0.0e+00;
	v1 =	vsel vm14, v1, v44;
	v48 =	vmul.f32 $1.442695020e+00, v45  }
0x69: {  	v47 =	vld [tilespmem:s24+$0x5100];
	v1 =	vmul.f32 $1.442695020e+00, v1;
	v7 =	vsel vm15, v7, v46;
	(erf) = vpow2.f32 v0  }
0x6a: {  	v49 =	vld [tilespmem:s24+$0x5110];
	v7 =	vmul.f32 $1.442695020e+00, v7;
	(erf) = vpow2.f32 v48  }
0x6b: {  	v50 =	vld [tilespmem:s24+$0x5120];
	(erf) = vpow2.f32 v1  }
0x6c: {  	v51 =	vld [tilespmem:s24+$0x5130];
	[tilespmem:s22+$0x7900] =	vst v2;
	(erf) = vpow2.f32 v7  }
0x6d: {  	v52 =	vld [tilespmem:s24+$0x5140]  }
0x6e: {  	v53 =	vpop (erf)  }
0x6f: {  	v54 =	vpop (erf);
	v2 =	vmul.f32 v53, v5  }
0x70: {  	v3 =	vmul.f32 v54, v3;
	v55 =	vpop (erf)  }
0x71: {  	[tilespmem:s22+$0x7910] =	vst v2;
	v56 =	vmul.f32 v55, v4;
	v57 =	vpop (erf)  }
0x72: {  	[tilespmem:s22+$0x7920] =	vst v3;
	v1 =	vmul.f32 v57, v52;
	v58 =	vpop (erf)  }
0x73: {  	[tilespmem:s22+$0x7930] =	vst v56;
	v59 =	vmul.f32 v58, v47;
	v60 =	vpop (erf)  }
0x74: {  	[tilespmem:s24+$0x7940] =	vst v1;
	v61 =	vpop (erf);
	v3 =	vmul.f32 v60, v49  }
0x75: {  	[tilespmem:s24+$0x7900] =	vst v59;
	v62 =	vpop (erf);
	v0 =	vmul.f32 v61, v50  }
0x76: {  	s20 =	sadd.s32 $0x1, s20;
	[tilespmem:s24+$0x7910] =	vst v3;
	v63 =	vmul.f32 v62, v51  }
0x77: {  	s21 =	sshll.u32 s21, $0x4;
	p0 =	sne.s32 s20, $0x7D;
	[tilespmem:s24+$0x7920] =	vst v0  }
.Ltmp1:
0x78: {  	s21 =	sadd.s32 s8, s21;
	[tilespmem:s24+$0x7930] =	vst v63;
	(pc) =	sbr.rel @p0 .LBB2_2-.Ltmp1, $4  }
0x79: {  	[hbm4b:s21+s2] =	stream.linear.scatter [tilespmem:s18], [sflag:$0x2], $0x2800, $0x38;
	[tilespmem:$0xA100] =	vst v63  }
0x7a: {  	_ =	swait.ge [sflag:s11], $0x2800  }
0x7b: {  	[sflag:s11] =	ssyncset.done $0x0  }
0x7c: {  	[sflag:s11] =	ssyncadd.s32 $0xFFFFD800  }
0x7d: {  	s19 =	sadd.s32 $0x1, s19  }
0x7e: {  	p0 =	sne.s32 s19, s10  }
.Ltmp2:
0x7f: {  	_ = 	snop;
	(pc) =	sbr.rel @p0 .LBB2_1-.Ltmp2, $1  }
0x80: {  	_ =	sdelay $0x3  }
0x81: {  	_ =	sfence.sel $0x180000  }
0x82: {  	[bflag:$0x0] =	sbarrier.arrive $0xFFFF  }
0x83: {  	p0 =	sne.s32 s4, $0x0;
	_ =	strace $0x90000047  }
0x84: {  	s0 =	sadd.s32 @!p0 $0x100000, s0;
	[bflag:$0x2] =	sbarrier.arrive $0xFFFF  }
0x85: {  	[sflag:s0] =	ssyncadd.tile.s32 @!p0 $0x1;
	_ =	shalt  }
.Lfunc_end2:
_tile_overlayer_lowered:
.L_overlay_start_2:
0x86: {  	(tag) =	ssettag $0x2  }
0x87: {  	s0 =	rddreg [dreg:$0x0];
	s2 =	stileid.u32  }
0x88: {  	s1 =	rddreg [dreg:$0x1];
	p0 =	sne.s32 s2, $0x0  }
0x89: {  	s3 =	rddreg [dreg:$0x2];
	[bflag:$0x3] =	sbarrier.arrive $0xFFFF;
	s2 =	simm.s32 @!p0 $0x1C02  }
0x8a: {  	[timem:s3], [sflag:s2] =	dma.local @!p0 [hbm:s0], s1  }
0x8b: {  	s0 =	simm.s32 @!p0 $0x2  }
0x8c: {  	_ =	swait.ge @!p0 [sflag:s0], s1  }
0x8d: {  	s1 =	ssub.s32 @!p0 $0x0, s1;
	[sflag:s0] =	ssyncset.done @!p0 $0x0  }
0x8e: {  	[sflag:s0] =	ssyncadd.s32 @!p0 s1  }
0x8f: {  	[bflag:$0x3] =	sbarrier.arrive $0xFFFF  }
0x90: {  	_ =	shalt  }

</sc_bundles>
